<compile_context>
chip_gen: v7x
topology: tpu7x:2x2x1
jax: 0.10.2.dev20260603
libtpu: 0.0.44.dev20260713+nightly
codegen_flags: <defaults>
</compile_context>

<pallas_src>
import functools
import jax
import jax.numpy as jnp
from jax import lax
from jax.experimental import pallas as pl
from jax.experimental.pallas import tpu as pltpu
from jax.experimental.pallas import tpu_sc as plsc

BN = 1000
BE = 1600
NC, NS = 2, 16
NW = NC * NS
CG = 80
CS = 80


def _sc_gather(g, src, dst):
    e = src.shape[0]
    n, d = g.shape
    per_w = e // NW
    nch = per_w // CG
    mesh = plsc.VectorSubcoreMesh(core_axis_name="c", subcore_axis_name="s",
                                  num_cores=NC, num_subcores=NS)

    @functools.partial(
        pl.kernel,
        out_type=[jax.ShapeDtypeStruct((e, d), jnp.float32),
                  jax.ShapeDtypeStruct((e, d), jnp.float32)],
        mesh=mesh,
        scratch_types=[pltpu.VMEM((CG,), jnp.int32),
                       pltpu.VMEM((CG,), jnp.int32),
                       pltpu.VMEM((CG, d), jnp.float32),
                       pltpu.VMEM((CG, d), jnp.float32),
                       pltpu.SemaphoreType.DMA,
                       pltpu.SemaphoreType.DMA,
                       pltpu.SemaphoreType.DMA,
                       pltpu.SemaphoreType.DMA,
                       pltpu.SemaphoreType.DMA,
                       pltpu.SemaphoreType.DMA],
    )
    def k(g_hbm, src_hbm, dst_hbm, gs_hbm, gd_hbm, idx_s, idx_d,
          buf_s, buf_d, sg_s, sg_d, ss_s, ss_d, si_s, si_d):
        wid = lax.axis_index("s") * NC + lax.axis_index("c")
        w0 = wid * per_w

        def il_start(j, src1, idxb, sem):
            pltpu.make_async_copy(src1.at[pl.ds(w0 + j * CG, CG)], idxb,
                                  sem).start()

        def il_wait(j, src1, idxb, sem):
            pltpu.make_async_copy(src1.at[pl.ds(w0 + j * CG, CG)], idxb,
                                  sem).wait()

        def g_start(idxb, buf, sem):
            pltpu.make_async_copy(g_hbm.at[idxb], buf, sem).start()

        def g_wait(idxb, buf, sem):
            pltpu.make_async_copy(g_hbm.at[idxb], buf, sem).wait()

        def s_start(j, buf, out, sem):
            pltpu.make_async_copy(buf, out.at[pl.ds(w0 + j * CG, CG)],
                                  sem).start()

        def s_wait(j, buf, out, sem):
            pltpu.make_async_copy(buf, out.at[pl.ds(w0 + j * CG, CG)],
                                  sem).wait()

        il_start(0, src_hbm, idx_s, si_s)
        il_start(0, dst_hbm, idx_d, si_d)
        il_wait(0, src_hbm, idx_s, si_s)
        il_wait(0, dst_hbm, idx_d, si_d)
        g_start(idx_s, buf_s, sg_s)
        g_start(idx_d, buf_d, sg_d)

        @pl.loop(0, nch - 1)
        def _(j):
            g_wait(idx_s, buf_s, sg_s)
            il_start(j + 1, src_hbm, idx_s, si_s)
            s_start(j, buf_s, gs_hbm, ss_s)
            g_wait(idx_d, buf_d, sg_d)
            il_start(j + 1, dst_hbm, idx_d, si_d)
            s_start(j, buf_d, gd_hbm, ss_d)
            s_wait(j, buf_s, gs_hbm, ss_s)
            il_wait(j + 1, src_hbm, idx_s, si_s)
            g_start(idx_s, buf_s, sg_s)
            s_wait(j, buf_d, gd_hbm, ss_d)
            il_wait(j + 1, dst_hbm, idx_d, si_d)
            g_start(idx_d, buf_d, sg_d)

        g_wait(idx_s, buf_s, sg_s)
        s_start(nch - 1, buf_s, gs_hbm, ss_s)
        g_wait(idx_d, buf_d, sg_d)
        s_start(nch - 1, buf_d, gd_hbm, ss_d)
        s_wait(nch - 1, buf_s, gs_hbm, ss_s)
        s_wait(nch - 1, buf_d, gd_hbm, ss_d)

    return k(g, src, dst)


def _sc_scatter16(edge16, dst, zeros16):
    e, d = edge16.shape
    n = zeros16.shape[0]
    per_core = e // NC
    per_sub = per_core // NS
    nz = n // 10
    mesh = plsc.VectorSubcoreMesh(core_axis_name="c", subcore_axis_name="s",
                                  num_cores=NC, num_subcores=NS)

    nchs = per_sub // CS
    half = nchs // 2

    @functools.partial(
        pl.kernel,
        out_type=jax.ShapeDtypeStruct((NC * n, d), jnp.float32),
        mesh=mesh,
        scratch_types=[pltpu.VMEM_SHARED((n, d), jnp.float32),
                       pltpu.VMEM((CS,), jnp.int32),
                       pltpu.VMEM((CS,), jnp.int32),
                       pltpu.VMEM((CS, d), jnp.float32),
                       pltpu.VMEM((CS, d), jnp.float32),
                       pltpu.SemaphoreType.DMA,
                       pltpu.SemaphoreType.DMA,
                       pltpu.SemaphoreType.DMA,
                       pltpu.SemaphoreType.DMA,
                       pltpu.SemaphoreType.DMA,
                       pltpu.SemaphoreType.DMA],
    )
    def k(eo_hbm, dst_hbm, z_hbm, out_hbm, acc, idx0, idx1, buf0, buf1,
          si0, si1, sp0, sp1, sa0, sa1):
        cid = lax.axis_index("c")
        sid = lax.axis_index("s")

        @pl.when(sid < 10)
        def _():
            pltpu.sync_copy(z_hbm.at[pl.ds(sid * nz, nz)],
                            acc.at[pl.ds(sid * nz, nz)])
        plsc.subcore_barrier()

        base0 = cid * per_core + sid * per_sub

        def il(j, idxb, sem):
            return pltpu.make_async_copy(
                dst_hbm.at[pl.ds(base0 + j * CS, CS)], idxb, sem)

        def pld(j, bufb, sem):
            return pltpu.make_async_copy(
                eo_hbm.at[pl.ds(base0 + j * CS, CS)], bufb, sem)

        def ad(bufb, idxb, sem):
            return pltpu.async_copy(bufb, acc.at[idxb], sem, add=True)

        il(0, idx0, si0).start()
        pld(0, buf0, sp0).start()

        @pl.loop(0, half)
        def _(t):
            j0 = 2 * t
            j1 = 2 * t + 1
            il(j0, idx0, si0).wait()
            pld(j0, buf0, sp0).wait()
            a0 = ad(buf0, idx0, sa0)
            il(j1, idx1, si1).start()
            pld(j1, buf1, sp1).start()
            a0.wait()
            il(j1, idx1, si1).wait()
            pld(j1, buf1, sp1).wait()
            a1 = ad(buf1, idx1, sa1)
            il(j0 + 2, idx0, si0).start()
            pld(j0 + 2, buf0, sp0).start()
            a1.wait()

        il(nchs - 1, idx0, si0).wait()
        pld(nchs - 1, buf0, sp0).wait()
        a_last = ad(buf0, idx0, sa0)
        a_last.wait()
        plsc.subcore_barrier()

        @pl.when(sid < 10)
        def _():
            pltpu.sync_copy(acc.at[pl.ds(sid * nz, nz)],
                            out_hbm.at[pl.ds(cid * n + sid * nz, nz)])

    return k(edge16, dst, zeros16)


def _prep_body(an_ref, emb_ref, wmsg_ref, we_ref, g_ref, he_ref):
    an = an_ref[0]
    nelem = emb_ref.shape[0]
    oh = (jax.lax.broadcasted_iota(jnp.int32, (BN, nelem), 1) == an
          ).astype(jnp.float32)
    h = jnp.dot(oh, emb_ref[...], preferred_element_type=jnp.float32)
    g_ref[...] = jnp.dot(h, wmsg_ref[...], preferred_element_type=jnp.float32)
    he_ref[...] = jnp.dot(h, we_ref[...], preferred_element_type=jnp.float32)


def _edge_body(dv_ref, gs_ref, gd_ref, cen_ref, wrbf_ref, wf_ref, wupd_ref,
               we_ref, out_ref):
    dv = dv_ref[...]
    d2 = jnp.sum(dv * dv, axis=1, keepdims=True)
    d = jnp.sqrt(d2 + 1e-12)
    rbf = jnp.exp(-((d - cen_ref[...]) ** 2))
    t = jnp.dot(rbf, wrbf_ref[...], preferred_element_type=jnp.float32)
    a = gs_ref[...] + gd_ref[...] + t
    m = a * jax.lax.logistic(a)
    w = jnp.dot(wupd_ref[...], we_ref[...], preferred_element_type=jnp.float32)
    q = jnp.dot(m, w, preferred_element_type=jnp.float32)
    fscal = jnp.dot(m, wf_ref[...], preferred_element_type=jnp.float32)
    fe = fscal * (dv / d)
    out_ref[...] = jnp.concatenate(
        [q, fe, jnp.zeros((BE, 124), jnp.float32)], axis=1)


def _final_body(he_ref, p_ref, batch_ref, b1_ref, w2_ref, b2_ref,
                f_ref, e_ref, s_ref, cnt_ref):
    i = pl.program_id(0)
    nsteps = pl.num_programs(0)
    psum = p_ref[0] + p_ref[1]
    f_ref[...] = jnp.concatenate(
        [psum[:, 1:4], jnp.zeros((BN, 13), jnp.float32)], axis=1)
    e_node = he_ref[...] + psum[:, 0:1]
    batch_row = batch_ref[0]
    s_dim = e_ref.shape[0]
    oht = (jax.lax.broadcasted_iota(jnp.int32, (s_dim, BN), 0) == batch_row
           ).astype(jnp.float32)
    e_part = jnp.dot(oht, e_node, preferred_element_type=jnp.float32)
    c_part = jnp.sum(oht, axis=1, keepdims=True)

    @pl.when(i == 0)
    def _():
        e_ref[...] = jnp.zeros_like(e_ref)
        cnt_ref[...] = jnp.zeros_like(cnt_ref)

    e_ref[...] += e_part
    cnt_ref[...] += c_part

    @pl.when(i == nsteps - 1)
    def _():
        srow = jnp.dot(jnp.tanh(b1_ref[...]), w2_ref[...],
                       preferred_element_type=jnp.float32) + b2_ref[...]
        s_ref[...] = cnt_ref[...] * srow


def _prep(atomic_numbers, atom_emb, W_msg, W_energy):
    n = atomic_numbers.shape[0]
    nelem, d = atom_emb.shape
    an3 = atomic_numbers.reshape(n // BN, BN, 1)
    return pl.pallas_call(
        _prep_body,
        grid=(n // BN,),
        in_specs=[
            pl.BlockSpec((1, BN, 1), lambda i: (i, 0, 0)),
            pl.BlockSpec((nelem, d), lambda i: (0, 0)),
            pl.BlockSpec((d, d), lambda i: (0, 0)),
            pl.BlockSpec((d, 1), lambda i: (0, 0)),
        ],
        out_specs=[
            pl.BlockSpec((BN, d), lambda i: (i, 0)),
            pl.BlockSpec((BN, 1), lambda i: (i, 0)),
        ],
        out_shape=[
            jax.ShapeDtypeStruct((n, d), jnp.float32),
            jax.ShapeDtypeStruct((n, 1), jnp.float32),
        ],
    )(an3, atom_emb, W_msg, W_energy)


def _edge(distance_vec, g_src, g_dst, centers, W_rbf, W_force, W_upd,
          W_energy):
    e, d = g_src.shape
    nrbf = W_rbf.shape[0]
    cen2 = centers.reshape(1, nrbf)
    return pl.pallas_call(
        _edge_body,
        grid=(e // BE,),
        in_specs=[
            pl.BlockSpec((BE, 3), lambda i: (i, 0)),
            pl.BlockSpec((BE, d), lambda i: (i, 0)),
            pl.BlockSpec((BE, d), lambda i: (i, 0)),
            pl.BlockSpec((1, nrbf), lambda i: (0, 0)),
            pl.BlockSpec((nrbf, d), lambda i: (0, 0)),
            pl.BlockSpec((d, 1), lambda i: (0, 0)),
            pl.BlockSpec((d, d), lambda i: (0, 0)),
            pl.BlockSpec((d, 1), lambda i: (0, 0)),
        ],
        out_specs=pl.BlockSpec((BE, 128), lambda i: (i, 0)),
        out_shape=jax.ShapeDtypeStruct((e, 128), jnp.float32),
    )(distance_vec, g_src, g_dst, cen2, W_rbf, W_force, W_upd, W_energy)


def _final(he, partials, batch, b1, W2, b2, num_struct):
    n = he.shape[0]
    d = b1.shape[0]
    batch3 = batch.reshape(n // BN, 1, BN)
    return pl.pallas_call(
        _final_body,
        grid=(n // BN,),
        in_specs=[
            pl.BlockSpec((BN, 1), lambda i: (i, 0)),
            pl.BlockSpec((2, BN, 128), lambda i: (0, i, 0)),
            pl.BlockSpec((1, 1, BN), lambda i: (i, 0, 0)),
            pl.BlockSpec((1, d), lambda i: (0, 0)),
            pl.BlockSpec((d, 6), lambda i: (0, 0)),
            pl.BlockSpec((1, 6), lambda i: (0, 0)),
        ],
        out_specs=[
            pl.BlockSpec((BN, 16), lambda i: (i, 0)),
            pl.BlockSpec((num_struct, 1), lambda i: (0, 0)),
            pl.BlockSpec((num_struct, 6), lambda i: (0, 0)),
        ],
        out_shape=[
            jax.ShapeDtypeStruct((n, 16), jnp.float32),
            jax.ShapeDtypeStruct((num_struct, 1), jnp.float32),
            jax.ShapeDtypeStruct((num_struct, 6), jnp.float32),
        ],
        scratch_shapes=[pltpu.VMEM((num_struct, 1), jnp.float32)],
    )(he, partials, batch3, b1.reshape(1, d), W2, b2.reshape(1, 6))


def kernel(pos, atomic_numbers, edge_index, distance_vec, batch, atom_emb,
           centers, W_msg, W_rbf, W_upd, W_energy, W_force, W1, b1, W2, b2):
    n = pos.shape[0]
    src = edge_index[0]
    dst = edge_index[1]
    g, he = _prep(atomic_numbers, atom_emb, W_msg, W_energy)
    g_src, g_dst = _sc_gather(g, src, dst)
    edge16 = _edge(distance_vec, g_src, g_dst, centers, W_rbf, W_force,
                   W_upd, W_energy)
    zeros_acc = jnp.zeros((n, 128), jnp.float32)
    p2 = _sc_scatter16(edge16, dst, zeros_acc)
    partials = p2.reshape(2, n, 128)
    f16, e_out, stress = _final(he, partials, batch, b1, W2, b2, 64)
    forces = f16[:, :3]
    energy = e_out[:, 0]
    return forces, energy, stress

# --- scband reference (transcript-rebuilt; emitter-appended) ---
"""Pipeline reference for scband-gem-net-s2-ef-74637941670059 (READ-ONLY COPY).

The authoritative reference and input builder live on the scoring server;
editing this copy changes nothing except your own understanding.
"""

import jax, jax.numpy as jnp
import numpy as np

N = 10000
E = 320000
D = 128
NRBF = 16
S = 64
NELEM = 100


def setup_inputs(seed: int = 0) -> dict:
    key = jax.random.key(seed)
    ks = jax.random.split(key, 16)
    inp = {}
    inp["pos"] = jax.random.normal(ks[0], (N, 3), dtype=jnp.float32)
    inp["atomic_numbers"] = jax.random.randint(ks[1], (N,), 0, NELEM)
    inp["edge_index"] = jax.random.randint(ks[2], (2, E), 0, N)
    inp["distance_vec"] = jax.random.normal(ks[3], (E, 3), dtype=jnp.float32)
    inp["batch"] = jnp.sort(jax.random.randint(ks[4], (N,), 0, S))
    # learned parameters (backbone + readouts)
    inp["atom_emb"] = jax.random.normal(ks[5], (NELEM, D), dtype=jnp.float32) * 0.1
    inp["centers"] = jnp.linspace(0.0, 5.0, NRBF).astype(jnp.float32)
    inp["W_msg"] = jax.random.normal(ks[6], (D, D), dtype=jnp.float32) * 0.05
    inp["W_rbf"] = jax.random.normal(ks[7], (NRBF, D), dtype=jnp.float32) * 0.05
    inp["W_upd"] = jax.random.normal(ks[8], (D, D), dtype=jnp.float32) * 0.05
    inp["W_energy"] = jax.random.normal(ks[9], (D, 1), dtype=jnp.float32) * 0.05
    inp["W_force"] = jax.random.normal(ks[10], (D, 1), dtype=jnp.float32) * 0.05
    inp["W1"] = jax.random.normal(ks[11], (D, D), dtype=jnp.float32) * 0.05
    inp["b1"] = jnp.zeros((D,), dtype=jnp.float32)
    inp["W2"] = jax.random.normal(ks[12], (D, 6), dtype=jnp.float32) * 0.05
    inp["b2"] = jnp.zeros((6,), dtype=jnp.float32)
    return inp


def reference(pos, atomic_numbers, edge_index, distance_vec, batch,
              atom_emb, centers, W_msg, W_rbf, W_upd, W_energy, W_force,
              W1, b1, W2, b2):
    src = edge_index[0]
    dst = edge_index[1]
    # atom embedding lookup (gather)
    h = jnp.take(atom_emb, atomic_numbers, axis=0)  # [N, D]
    # edge geometry
    d = jnp.sqrt(jnp.sum(distance_vec * distance_vec, axis=-1) + 1e-12)  # [E]
    rbf = jnp.exp(-((d[:, None] - centers[None, :]) ** 2))  # [E, NRBF]
    # message construction (gather src/dst node features)
    m = (h[src] + h[dst]) @ W_msg + rbf @ W_rbf  # [E, D]
    m = jax.nn.silu(m)
    # aggregate messages to receiving atoms (scatter-add)
    agg = jax.ops.segment_sum(m, dst, num_segments=N)  # [N, D]
    h = h + agg @ W_upd
    # per-structure energy
    node_energy = h @ W_energy  # [N, 1]
    energy = jax.ops.segment_sum(node_energy, batch, num_segments=S)[:, 0]  # [S]
    # forces: scalar edge coefficient times unit distance vector, scattered to atoms
    fscal = m @ W_force  # [E, 1]
    unit = distance_vec / d[:, None]
    f_edge = fscal * unit  # [E, 3]
    forces = jax.ops.segment_sum(f_edge, dst, num_segments=N)  # [N, 3]
    # stress head: h0 is zeros per the original forward, MLP readout, scatter-add per structure
    h0 = jnp.zeros((pos.shape[0], D), dtype=pos.dtype)
    s_per_node = jnp.tanh(h0 @ W1 + b1) @ W2 + b2  # [N, 6]
    stress = jax.ops.segment_sum(s_per_node, batch, num_segments=S)  # [S, 6]
    return forces, energy, stress

if __name__ == "__main__":
    import jax
    _d = setup_inputs()
    print(jax.jit(kernel)(*tuple(_d.values())))

</pallas_src>

<mosaic_0001>
#map = affine_map<(d0, d1) -> (0, 0)>
#map1 = affine_map<(d0, d1) -> (0)>
module attributes {stable_mosaic.version = 14 : i64} {
  func.func @k(%arg0: i32, %arg1: i32, %arg2: memref<320000x128xf32, #tpu.memory_space<hbm>>, %arg3: memref<320000xi32, #tpu.memory_space<hbm>>, %arg4: memref<10000x128xf32, #tpu.memory_space<hbm>>, %arg5: memref<20000x128xf32, #tpu.memory_space<hbm>>, %arg6: memref<10000x128xf32, #tpu.memory_space<vmem_shared>>, %arg7: memref<80xi32, #tpu.memory_space<vmem>>, %arg8: memref<80xi32, #tpu.memory_space<vmem>>, %arg9: memref<80x128xf32, #tpu.memory_space<vmem>>, %arg10: memref<80x128xf32, #tpu.memory_space<vmem>>, %arg11: memref<!tpu.dma_semaphore, #tpu.memory_space<semaphore_mem>>, %arg12: memref<!tpu.dma_semaphore, #tpu.memory_space<semaphore_mem>>, %arg13: memref<!tpu.dma_semaphore, #tpu.memory_space<semaphore_mem>>, %arg14: memref<!tpu.dma_semaphore, #tpu.memory_space<semaphore_mem>>, %arg15: memref<!tpu.dma_semaphore, #tpu.memory_space<semaphore_mem>>, %arg16: memref<!tpu.dma_semaphore, #tpu.memory_space<semaphore_mem>>) attributes {dimension_semantics = [#tpu.dimension_semantics<core_parallel>, #tpu.dimension_semantics<subcore_parallel>], iteration_bounds = array<i64: 2, 16>, scalar_prefetch = 0 : i64, scratch_operands = 11 : i64, tpu.core_type = #tpu.core_type<sc_vector_subcore>, window_params = [{transform_indices = #map}, {transform_indices = #map1}, {transform_indices = #map}, {transform_indices = #map}]} {
    %lt3A = arith.constant 10 : i32
    %lt3A_0 = arith.cmpi slt, %arg1, %lt3A : i32
    %convert_element_type3A = arith.extui %lt3A_0 : i1 to i32
    %cond3A = arith.constant 0 : i32
    %cond3A_1 = arith.cmpi ne, %convert_element_type3A, %cond3A : i32
    scf.if %cond3A_1 {
      %mul3A_39 = arith.constant 1000 : i32
      %mul3A_40 = arith.muli %arg1, %mul3A_39 : i32
      %mul3A_41 = arith.constant 1000 : i32
      %mul3A_42 = arith.muli %arg1, %mul3A_41 : i32
      "tpu.region"() ({
        %run_scoped3A = tpu.sem_alloc : memref<!tpu.dma_semaphore, #tpu.memory_space<semaphore_mem>>
        %dma_start3A_43 = arith.constant 0 : i32
        %dma_start3A_44 = tpu.memref_slice %arg6[%mul3A_42, %dma_start3A_43] : memref<10000x128xf32, #tpu.memory_space<vmem_shared>> -> memref<1000x128xf32, #tpu.memory_space<vmem_shared>>
        %dma_start3A_45 = arith.constant 0 : i32
        %dma_start3A_46 = tpu.memref_slice %arg4[%mul3A_40, %dma_start3A_45] : memref<10000x128xf32, #tpu.memory_space<hbm>> -> memref<1000x128xf32, #tpu.memory_space<hbm>>
        tpu.enqueue_dma source(%dma_start3A_46 : memref<1000x128xf32, #tpu.memory_space<hbm>>) target(%dma_start3A_44 : memref<1000x128xf32, #tpu.memory_space<vmem_shared>>) target_semaphore(%run_scoped3A : memref<!tpu.dma_semaphore, #tpu.memory_space<semaphore_mem>>)
        %dma_wait3A_47 = arith.constant 0 : i32
        %dma_wait3A_48 = tpu.memref_slice %arg6[%mul3A_42, %dma_wait3A_47] : memref<10000x128xf32, #tpu.memory_space<vmem_shared>> -> memref<1000x128xf32, #tpu.memory_space<vmem_shared>>
        %dma_wait3A_49 = arith.constant 0 : i32
        %dma_wait3A_50 = tpu.memref_slice %arg4[%mul3A_40, %dma_wait3A_49] : memref<10000x128xf32, #tpu.memory_space<hbm>> -> memref<1000x128xf32, #tpu.memory_space<hbm>>
        tpu.wait_dma2 semaphore(%run_scoped3A : memref<!tpu.dma_semaphore, #tpu.memory_space<semaphore_mem>>) src(%dma_wait3A_50 : memref<1000x128xf32, #tpu.memory_space<hbm>>) dst(%dma_wait3A_48 : memref<1000x128xf32, #tpu.memory_space<vmem_shared>>)
        tpu.yield
      }) : () -> ()
    } else {
    }
    %barrier3A = arith.constant 0 : index
    tpu.barrier barrier_id(%barrier3A)
    %mul3A = arith.constant 160000 : i32
    %mul3A_2 = arith.muli %arg0, %mul3A : i32
    %mul3A_3 = arith.constant 10000 : i32
    %mul3A_4 = arith.muli %arg1, %mul3A_3 : i32
    %add3A = arith.addi %mul3A_2, %mul3A_4 : i32
    %add3A_5 = arith.constant 0 : i32
    %add3A_6 = arith.addi %add3A, %add3A_5 : i32
    %dma_start3A = tpu.memref_slice %arg3[%add3A_6] : memref<320000xi32, #tpu.memory_space<hbm>> -> memref<80xi32, #tpu.memory_space<hbm>>
    %dma_start3A_7 = tpu.memref_slice %arg3[%add3A_6] : memref<320000xi32, #tpu.memory_space<hbm>> -> memref<80xi32, #tpu.memory_space<hbm>>
    tpu.enqueue_dma source(%dma_start3A_7 : memref<80xi32, #tpu.memory_space<hbm>>) target(%arg7 : memref<80xi32, #tpu.memory_space<vmem>>) target_semaphore(%arg11 : memref<!tpu.dma_semaphore, #tpu.memory_space<semaphore_mem>>)
    %add3A_8 = arith.constant 0 : i32
    %add3A_9 = arith.addi %add3A, %add3A_8 : i32
    %dma_start3A_10 = arith.constant 0 : i32
    %dma_start3A_11 = tpu.memref_slice %arg2[%add3A_9, %dma_start3A_10] : memref<320000x128xf32, #tpu.memory_space<hbm>> -> memref<80x128xf32, #tpu.memory_space<hbm>>
    %dma_start3A_12 = arith.constant 0 : i32
    %dma_start3A_13 = tpu.memref_slice %arg2[%add3A_9, %dma_start3A_12] : memref<320000x128xf32, #tpu.memory_space<hbm>> -> memref<80x128xf32, #tpu.memory_space<hbm>>
    tpu.enqueue_dma source(%dma_start3A_13 : memref<80x128xf32, #tpu.memory_space<hbm>>) target(%arg9 : memref<80x128xf32, #tpu.memory_space<vmem>>) target_semaphore(%arg13 : memref<!tpu.dma_semaphore, #tpu.memory_space<semaphore_mem>>)
    %scan3A = arith.constant 0 : i32
    %scan3A_14 = arith.constant 62 : i32
    %scan3A_15 = arith.addi %scan3A, %scan3A_14 : i32
    %scan3A_16 = arith.constant 1 : i32
    scf.for %scan3A_39 = %scan3A to %scan3A_15 step %scan3A_16  : i32 {
      %mul3A_40 = arith.constant 1 : i32
      %mul3A_41 = arith.muli %scan3A_39, %mul3A_40 : i32
      %add3A_42 = arith.constant 0 : i32
      %add3A_43 = arith.addi %add3A_42, %mul3A_41 : i32
      %mul3A_44 = arith.constant 2 : i32
      %mul3A_45 = arith.muli %mul3A_44, %add3A_43 : i32
      %mul3A_46 = arith.constant 2 : i32
      %mul3A_47 = arith.muli %mul3A_46, %add3A_43 : i32
      %add3A_48 = arith.constant 1 : i32
      %add3A_49 = arith.addi %mul3A_47, %add3A_48 : i32
      %mul3A_50 = arith.constant 80 : i32
      %mul3A_51 = arith.muli %mul3A_45, %mul3A_50 : i32
      %add3A_52 = arith.addi %add3A, %mul3A_51 : i32
      %dma_wait3A_53 = tpu.memref_slice %arg3[%add3A_52] : memref<320000xi32, #tpu.memory_space<hbm>> -> memref<80xi32, #tpu.memory_space<hbm>>
      %dma_wait3A_54 = tpu.memref_slice %arg3[%add3A_52] : memref<320000xi32, #tpu.memory_space<hbm>> -> memref<80xi32, #tpu.memory_space<hbm>>
      tpu.wait_dma2 semaphore(%arg11 : memref<!tpu.dma_semaphore, #tpu.memory_space<semaphore_mem>>) src(%dma_wait3A_54 : memref<80xi32, #tpu.memory_space<hbm>>) dst(%arg7 : memref<80xi32, #tpu.memory_space<vmem>>)
      %mul3A_55 = arith.constant 80 : i32
      %mul3A_56 = arith.muli %mul3A_45, %mul3A_55 : i32
      %add3A_57 = arith.addi %add3A, %mul3A_56 : i32
      %dma_wait3A_58 = arith.constant 0 : i32
      %dma_wait3A_59 = tpu.memref_slice %arg2[%add3A_57, %dma_wait3A_58] : memref<320000x128xf32, #tpu.memory_space<hbm>> -> memref<80x128xf32, #tpu.memory_space<hbm>>
      %dma_wait3A_60 = arith.constant 0 : i32
      %dma_wait3A_61 = tpu.memref_slice %arg2[%add3A_57, %dma_wait3A_60] : memref<320000x128xf32, #tpu.memory_space<hbm>> -> memref<80x128xf32, #tpu.memory_space<hbm>>
      tpu.wait_dma2 semaphore(%arg13 : memref<!tpu.dma_semaphore, #tpu.memory_space<semaphore_mem>>) src(%dma_wait3A_61 : memref<80x128xf32, #tpu.memory_space<hbm>>) dst(%arg9 : memref<80x128xf32, #tpu.memory_space<vmem>>)
      %dma_start3A_62 = arith.constant 0 : i32
      %dma_start3A_63 = arith.constant 0 : i32
      %dma_start3A_64 = tpu.memref_slice %arg6[%dma_start3A_62, %dma_start3A_63] : memref<10000x128xf32, #tpu.memory_space<vmem_shared>> -> memref<10000x128xf32, #tpu.memory_space<vmem_shared>>
      tpu.enqueue_indirect_dma source(%arg9 : memref<80x128xf32, #tpu.memory_space<vmem>>) target(%dma_start3A_64 : memref<10000x128xf32, #tpu.memory_space<vmem_shared>>) offsets(%arg7 : memref<80xi32, #tpu.memory_space<vmem>>) semaphore(%arg15 : memref<!tpu.dma_semaphore, #tpu.memory_space<semaphore_mem>>) {add = true}
      %mul3A_65 = arith.constant 80 : i32
      %mul3A_66 = arith.muli %add3A_49, %mul3A_65 : i32
      %add3A_67 = arith.addi %add3A, %mul3A_66 : i32
      %dma_start3A_68 = tpu.memref_slice %arg3[%add3A_67] : memref<320000xi32, #tpu.memory_space<hbm>> -> memref<80xi32, #tpu.memory_space<hbm>>
      %dma_start3A_69 = tpu.memref_slice %arg3[%add3A_67] : memref<320000xi32, #tpu.memory_space<hbm>> -> memref<80xi32, #tpu.memory_space<hbm>>
      tpu.enqueue_dma source(%dma_start3A_69 : memref<80xi32, #tpu.memory_space<hbm>>) target(%arg8 : memref<80xi32, #tpu.memory_space<vmem>>) target_semaphore(%arg12 : memref<!tpu.dma_semaphore, #tpu.memory_space<semaphore_mem>>)
      %mul3A_70 = arith.constant 80 : i32
      %mul3A_71 = arith.muli %add3A_49, %mul3A_70 : i32
      %add3A_72 = arith.addi %add3A, %mul3A_71 : i32
      %dma_start3A_73 = arith.constant 0 : i32
      %dma_start3A_74 = tpu.memref_slice %arg2[%add3A_72, %dma_start3A_73] : memref<320000x128xf32, #tpu.memory_space<hbm>> -> memref<80x128xf32, #tpu.memory_space<hbm>>
      %dma_start3A_75 = arith.constant 0 : i32
      %dma_start3A_76 = tpu.memref_slice %arg2[%add3A_72, %dma_start3A_75] : memref<320000x128xf32, #tpu.memory_space<hbm>> -> memref<80x128xf32, #tpu.memory_space<hbm>>
      tpu.enqueue_dma source(%dma_start3A_76 : memref<80x128xf32, #tpu.memory_space<hbm>>) target(%arg10 : memref<80x128xf32, #tpu.memory_space<vmem>>) target_semaphore(%arg14 : memref<!tpu.dma_semaphore, #tpu.memory_space<semaphore_mem>>)
      %dma_wait3A_77 = arith.constant 0 : i32
      %dma_wait3A_78 = arith.constant 0 : i32
      %dma_wait3A_79 = tpu.memref_slice %arg6[%dma_wait3A_77, %dma_wait3A_78] : memref<10000x128xf32, #tpu.memory_space<vmem_shared>> -> memref<10000x128xf32, #tpu.memory_space<vmem_shared>>
      tpu.wait_indirect_dma semaphore(%arg15 : memref<!tpu.dma_semaphore, #tpu.memory_space<semaphore_mem>>) src(%arg9 : memref<80x128xf32, #tpu.memory_space<vmem>>) dst(%dma_wait3A_79 : memref<10000x128xf32, #tpu.memory_space<vmem_shared>>)
      %mul3A_80 = arith.constant 80 : i32
      %mul3A_81 = arith.muli %add3A_49, %mul3A_80 : i32
      %add3A_82 = arith.addi %add3A, %mul3A_81 : i32
      %dma_wait3A_83 = tpu.memref_slice %arg3[%add3A_82] : memref<320000xi32, #tpu.memory_space<hbm>> -> memref<80xi32, #tpu.memory_space<hbm>>
      %dma_wait3A_84 = tpu.memref_slice %arg3[%add3A_82] : memref<320000xi32, #tpu.memory_space<hbm>> -> memref<80xi32, #tpu.memory_space<hbm>>
      tpu.wait_dma2 semaphore(%arg12 : memref<!tpu.dma_semaphore, #tpu.memory_space<semaphore_mem>>) src(%dma_wait3A_84 : memref<80xi32, #tpu.memory_space<hbm>>) dst(%arg8 : memref<80xi32, #tpu.memory_space<vmem>>)
      %mul3A_85 = arith.constant 80 : i32
      %mul3A_86 = arith.muli %add3A_49, %mul3A_85 : i32
      %add3A_87 = arith.addi %add3A, %mul3A_86 : i32
      %dma_wait3A_88 = arith.constant 0 : i32
      %dma_wait3A_89 = tpu.memref_slice %arg2[%add3A_87, %dma_wait3A_88] : memref<320000x128xf32, #tpu.memory_space<hbm>> -> memref<80x128xf32, #tpu.memory_space<hbm>>
      %dma_wait3A_90 = arith.constant 0 : i32
      %dma_wait3A_91 = tpu.memref_slice %arg2[%add3A_87, %dma_wait3A_90] : memref<320000x128xf32, #tpu.memory_space<hbm>> -> memref<80x128xf32, #tpu.memory_space<hbm>>
      tpu.wait_dma2 semaphore(%arg14 : memref<!tpu.dma_semaphore, #tpu.memory_space<semaphore_mem>>) src(%dma_wait3A_91 : memref<80x128xf32, #tpu.memory_space<hbm>>) dst(%arg10 : memref<80x128xf32, #tpu.memory_space<vmem>>)
      %dma_start3A_92 = arith.constant 0 : i32
      %dma_start3A_93 = arith.constant 0 : i32
      %dma_start3A_94 = tpu.memref_slice %arg6[%dma_start3A_92, %dma_start3A_93] : memref<10000x128xf32, #tpu.memory_space<vmem_shared>> -> memref<10000x128xf32, #tpu.memory_space<vmem_shared>>
      tpu.enqueue_indirect_dma source(%arg10 : memref<80x128xf32, #tpu.memory_space<vmem>>) target(%dma_start3A_94 : memref<10000x128xf32, #tpu.memory_space<vmem_shared>>) offsets(%arg8 : memref<80xi32, #tpu.memory_space<vmem>>) semaphore(%arg16 : memref<!tpu.dma_semaphore, #tpu.memory_space<semaphore_mem>>) {add = true}
      %add3A_95 = arith.constant 2 : i32
      %add3A_96 = arith.addi %mul3A_45, %add3A_95 : i32
      %mul3A_97 = arith.constant 80 : i32
      %mul3A_98 = arith.muli %add3A_96, %mul3A_97 : i32
      %add3A_99 = arith.addi %add3A, %mul3A_98 : i32
      %dma_start3A_100 = tpu.memref_slice %arg3[%add3A_99] : memref<320000xi32, #tpu.memory_space<hbm>> -> memref<80xi32, #tpu.memory_space<hbm>>
      %dma_start3A_101 = tpu.memref_slice %arg3[%add3A_99] : memref<320000xi32, #tpu.memory_space<hbm>> -> memref<80xi32, #tpu.memory_space<hbm>>
      tpu.enqueue_dma source(%dma_start3A_101 : memref<80xi32, #tpu.memory_space<hbm>>) target(%arg7 : memref<80xi32, #tpu.memory_space<vmem>>) target_semaphore(%arg11 : memref<!tpu.dma_semaphore, #tpu.memory_space<semaphore_mem>>)
      %add3A_102 = arith.constant 2 : i32
      %add3A_103 = arith.addi %mul3A_45, %add3A_102 : i32
      %mul3A_104 = arith.constant 80 : i32
      %mul3A_105 = arith.muli %add3A_103, %mul3A_104 : i32
      %add3A_106 = arith.addi %add3A, %mul3A_105 : i32
      %dma_start3A_107 = arith.constant 0 : i32
      %dma_start3A_108 = tpu.memref_slice %arg2[%add3A_106, %dma_start3A_107] : memref<320000x128xf32, #tpu.memory_space<hbm>> -> memref<80x128xf32, #tpu.memory_space<hbm>>
      %dma_start3A_109 = arith.constant 0 : i32
      %dma_start3A_110 = tpu.memref_slice %arg2[%add3A_106, %dma_start3A_109] : memref<320000x128xf32, #tpu.memory_space<hbm>> -> memref<80x128xf32, #tpu.memory_space<hbm>>
      tpu.enqueue_dma source(%dma_start3A_110 : memref<80x128xf32, #tpu.memory_space<hbm>>) target(%arg9 : memref<80x128xf32, #tpu.memory_space<vmem>>) target_semaphore(%arg13 : memref<!tpu.dma_semaphore, #tpu.memory_space<semaphore_mem>>)
      %dma_wait3A_111 = arith.constant 0 : i32
      %dma_wait3A_112 = arith.constant 0 : i32
      %dma_wait3A_113 = tpu.memref_slice %arg6[%dma_wait3A_111, %dma_wait3A_112] : memref<10000x128xf32, #tpu.memory_space<vmem_shared>> -> memref<10000x128xf32, #tpu.memory_space<vmem_shared>>
      tpu.wait_indirect_dma semaphore(%arg16 : memref<!tpu.dma_semaphore, #tpu.memory_space<semaphore_mem>>) src(%arg10 : memref<80x128xf32, #tpu.memory_space<vmem>>) dst(%dma_wait3A_113 : memref<10000x128xf32, #tpu.memory_space<vmem_shared>>)
    }
    %scan3A_17 = arith.constant 62 : i32
    %add3A_18 = arith.constant 9920 : i32
    %add3A_19 = arith.addi %add3A, %add3A_18 : i32
    %dma_wait3A = tpu.memref_slice %arg3[%add3A_19] : memref<320000xi32, #tpu.memory_space<hbm>> -> memref<80xi32, #tpu.memory_space<hbm>>
    %dma_wait3A_20 = tpu.memref_slice %arg3[%add3A_19] : memref<320000xi32, #tpu.memory_space<hbm>> -> memref<80xi32, #tpu.memory_space<hbm>>
    tpu.wait_dma2 semaphore(%arg11 : memref<!tpu.dma_semaphore, #tpu.memory_space<semaphore_mem>>) src(%dma_wait3A_20 : memref<80xi32, #tpu.memory_space<hbm>>) dst(%arg7 : memref<80xi32, #tpu.memory_space<vmem>>)
    %add3A_21 = arith.constant 9920 : i32
    %add3A_22 = arith.addi %add3A, %add3A_21 : i32
    %dma_wait3A_23 = arith.constant 0 : i32
    %dma_wait3A_24 = tpu.memref_slice %arg2[%add3A_22, %dma_wait3A_23] : memref<320000x128xf32, #tpu.memory_space<hbm>> -> memref<80x128xf32, #tpu.memory_space<hbm>>
    %dma_wait3A_25 = arith.constant 0 : i32
    %dma_wait3A_26 = tpu.memref_slice %arg2[%add3A_22, %dma_wait3A_25] : memref<320000x128xf32, #tpu.memory_space<hbm>> -> memref<80x128xf32, #tpu.memory_space<hbm>>
    tpu.wait_dma2 semaphore(%arg13 : memref<!tpu.dma_semaphore, #tpu.memory_space<semaphore_mem>>) src(%dma_wait3A_26 : memref<80x128xf32, #tpu.memory_space<hbm>>) dst(%arg9 : memref<80x128xf32, #tpu.memory_space<vmem>>)
    %dma_start3A_27 = arith.constant 0 : i32
    %dma_start3A_28 = arith.constant 0 : i32
    %dma_start3A_29 = tpu.memref_slice %arg6[%dma_start3A_27, %dma_start3A_28] : memref<10000x128xf32, #tpu.memory_space<vmem_shared>> -> memref<10000x128xf32, #tpu.memory_space<vmem_shared>>
    tpu.enqueue_indirect_dma source(%arg9 : memref<80x128xf32, #tpu.memory_space<vmem>>) target(%dma_start3A_29 : memref<10000x128xf32, #tpu.memory_space<vmem_shared>>) offsets(%arg7 : memref<80xi32, #tpu.memory_space<vmem>>) semaphore(%arg15 : memref<!tpu.dma_semaphore, #tpu.memory_space<semaphore_mem>>) {add = true}
    %dma_wait3A_30 = arith.constant 0 : i32
    %dma_wait3A_31 = arith.constant 0 : i32
    %dma_wait3A_32 = tpu.memref_slice %arg6[%dma_wait3A_30, %dma_wait3A_31] : memref<10000x128xf32, #tpu.memory_space<vmem_shared>> -> memref<10000x128xf32, #tpu.memory_space<vmem_shared>>
    tpu.wait_indirect_dma semaphore(%arg15 : memref<!tpu.dma_semaphore, #tpu.memory_space<semaphore_mem>>) src(%arg9 : memref<80x128xf32, #tpu.memory_space<vmem>>) dst(%dma_wait3A_32 : memref<10000x128xf32, #tpu.memory_space<vmem_shared>>)
    %barrier3A_33 = arith.constant 0 : index
    tpu.barrier barrier_id(%barrier3A_33)
    %lt3A_34 = arith.constant 10 : i32
    %lt3A_35 = arith.cmpi slt, %arg1, %lt3A_34 : i32
    %convert_element_type3A_36 = arith.extui %lt3A_35 : i1 to i32
    %cond3A_37 = arith.constant 0 : i32
    %cond3A_38 = arith.cmpi ne, %convert_element_type3A_36, %cond3A_37 : i32
    scf.if %cond3A_38 {
      %mul3A_39 = arith.constant 1000 : i32
      %mul3A_40 = arith.muli %arg1, %mul3A_39 : i32
      %mul3A_41 = arith.constant 10000 : i32
      %mul3A_42 = arith.muli %arg0, %mul3A_41 : i32
      %mul3A_43 = arith.constant 1000 : i32
      %mul3A_44 = arith.muli %arg1, %mul3A_43 : i32
      %add3A_45 = arith.addi %mul3A_42, %mul3A_44 : i32
      "tpu.region"() ({
        %run_scoped3A = tpu.sem_alloc : memref<!tpu.dma_semaphore, #tpu.memory_space<semaphore_mem>>
        %dma_start3A_46 = arith.constant 0 : i32
        %dma_start3A_47 = tpu.memref_slice %arg5[%add3A_45, %dma_start3A_46] : memref<20000x128xf32, #tpu.memory_space<hbm>> -> memref<1000x128xf32, #tpu.memory_space<hbm>>
        %dma_start3A_48 = arith.constant 0 : i32
        %dma_start3A_49 = tpu.memref_slice %arg6[%mul3A_40, %dma_start3A_48] : memref<10000x128xf32, #tpu.memory_space<vmem_shared>> -> memref<1000x128xf32, #tpu.memory_space<vmem_shared>>
        tpu.enqueue_dma source(%dma_start3A_49 : memref<1000x128xf32, #tpu.memory_space<vmem_shared>>) target(%dma_start3A_47 : memref<1000x128xf32, #tpu.memory_space<hbm>>) target_semaphore(%run_scoped3A : memref<!tpu.dma_semaphore, #tpu.memory_space<semaphore_mem>>)
        %dma_wait3A_50 = arith.constant 0 : i32
        %dma_wait3A_51 = tpu.memref_slice %arg5[%add3A_45, %dma_wait3A_50] : memref<20000x128xf32, #tpu.memory_space<hbm>> -> memref<1000x128xf32, #tpu.memory_space<hbm>>
        %dma_wait3A_52 = arith.constant 0 : i32
        %dma_wait3A_53 = tpu.memref_slice %arg6[%mul3A_40, %dma_wait3A_52] : memref<10000x128xf32, #tpu.memory_space<vmem_shared>> -> memref<1000x128xf32, #tpu.memory_space<vmem_shared>>
        tpu.wait_dma2 semaphore(%run_scoped3A : memref<!tpu.dma_semaphore, #tpu.memory_space<semaphore_mem>>) src(%dma_wait3A_53 : memref<1000x128xf32, #tpu.memory_space<vmem_shared>>) dst(%dma_wait3A_51 : memref<1000x128xf32, #tpu.memory_space<hbm>>)
        tpu.yield
      }) : () -> ()
    } else {
    }
    return
  }
}

#map = affine_map<(d0, d1) -> (0, 0)>
#map1 = affine_map<(d0, d1) -> (0)>
module attributes {stable_mosaic.version = 14 : i64} {
  func.func @k(%arg0: i32, %arg1: i32, %arg2: memref<10000x128xf32, #tpu.memory_space<hbm>>, %arg3: memref<320000xi32, #tpu.memory_space<hbm>>, %arg4: memref<320000xi32, #tpu.memory_space<hbm>>, %arg5: memref<320000x128xf32, #tpu.memory_space<hbm>>, %arg6: memref<320000x128xf32, #tpu.memory_space<hbm>>, %arg7: memref<80xi32, #tpu.memory_space<vmem>>, %arg8: memref<80xi32, #tpu.memory_space<vmem>>, %arg9: memref<80x128xf32, #tpu.memory_space<vmem>>, %arg10: memref<80x128xf32, #tpu.memory_space<vmem>>, %arg11: memref<!tpu.dma_semaphore, #tpu.memory_space<semaphore_mem>>, %arg12: memref<!tpu.dma_semaphore, #tpu.memory_space<semaphore_mem>>, %arg13: memref<!tpu.dma_semaphore, #tpu.memory_space<semaphore_mem>>, %arg14: memref<!tpu.dma_semaphore, #tpu.memory_space<semaphore_mem>>, %arg15: memref<!tpu.dma_semaphore, #tpu.memory_space<semaphore_mem>>, %arg16: memref<!tpu.dma_semaphore, #tpu.memory_space<semaphore_mem>>) attributes {dimension_semantics = [#tpu.dimension_semantics<core_parallel>, #tpu.dimension_semantics<subcore_parallel>], iteration_bounds = array<i64: 2, 16>, scalar_prefetch = 0 : i64, scratch_operands = 10 : i64, tpu.core_type = #tpu.core_type<sc_vector_subcore>, window_params = [{transform_indices = #map}, {transform_indices = #map1}, {transform_indices = #map1}, {transform_indices = #map}, {transform_indices = #map}]} {
    %mul3A = arith.constant 2 : i32
    %mul3A_0 = arith.muli %arg1, %mul3A : i32
    %add3A = arith.addi %mul3A_0, %arg0 : i32
    %mul3A_1 = arith.constant 10000 : i32
    %mul3A_2 = arith.muli %add3A, %mul3A_1 : i32
    %add3A_3 = arith.constant 0 : i32
    %add3A_4 = arith.addi %mul3A_2, %add3A_3 : i32
    %dma_start3A = tpu.memref_slice %arg3[%add3A_4] : memref<320000xi32, #tpu.memory_space<hbm>> -> memref<80xi32, #tpu.memory_space<hbm>>
    %dma_start3A_5 = tpu.memref_slice %arg3[%add3A_4] : memref<320000xi32, #tpu.memory_space<hbm>> -> memref<80xi32, #tpu.memory_space<hbm>>
    tpu.enqueue_dma source(%dma_start3A_5 : memref<80xi32, #tpu.memory_space<hbm>>) target(%arg7 : memref<80xi32, #tpu.memory_space<vmem>>) target_semaphore(%arg15 : memref<!tpu.dma_semaphore, #tpu.memory_space<semaphore_mem>>)
    %add3A_6 = arith.constant 0 : i32
    %add3A_7 = arith.addi %mul3A_2, %add3A_6 : i32
    %dma_start3A_8 = tpu.memref_slice %arg4[%add3A_7] : memref<320000xi32, #tpu.memory_space<hbm>> -> memref<80xi32, #tpu.memory_space<hbm>>
    %dma_start3A_9 = tpu.memref_slice %arg4[%add3A_7] : memref<320000xi32, #tpu.memory_space<hbm>> -> memref<80xi32, #tpu.memory_space<hbm>>
    tpu.enqueue_dma source(%dma_start3A_9 : memref<80xi32, #tpu.memory_space<hbm>>) target(%arg8 : memref<80xi32, #tpu.memory_space<vmem>>) target_semaphore(%arg16 : memref<!tpu.dma_semaphore, #tpu.memory_space<semaphore_mem>>)
    %add3A_10 = arith.constant 0 : i32
    %add3A_11 = arith.addi %mul3A_2, %add3A_10 : i32
    %dma_wait3A = tpu.memref_slice %arg3[%add3A_11] : memref<320000xi32, #tpu.memory_space<hbm>> -> memref<80xi32, #tpu.memory_space<hbm>>
    %dma_wait3A_12 = tpu.memref_slice %arg3[%add3A_11] : memref<320000xi32, #tpu.memory_space<hbm>> -> memref<80xi32, #tpu.memory_space<hbm>>
    tpu.wait_dma2 semaphore(%arg15 : memref<!tpu.dma_semaphore, #tpu.memory_space<semaphore_mem>>) src(%dma_wait3A_12 : memref<80xi32, #tpu.memory_space<hbm>>) dst(%arg7 : memref<80xi32, #tpu.memory_space<vmem>>)
    %add3A_13 = arith.constant 0 : i32
    %add3A_14 = arith.addi %mul3A_2, %add3A_13 : i32
    %dma_wait3A_15 = tpu.memref_slice %arg4[%add3A_14] : memref<320000xi32, #tpu.memory_space<hbm>> -> memref<80xi32, #tpu.memory_space<hbm>>
    %dma_wait3A_16 = tpu.memref_slice %arg4[%add3A_14] : memref<320000xi32, #tpu.memory_space<hbm>> -> memref<80xi32, #tpu.memory_space<hbm>>
    tpu.wait_dma2 semaphore(%arg16 : memref<!tpu.dma_semaphore, #tpu.memory_space<semaphore_mem>>) src(%dma_wait3A_16 : memref<80xi32, #tpu.memory_space<hbm>>) dst(%arg8 : memref<80xi32, #tpu.memory_space<vmem>>)
    %dma_start3A_17 = arith.constant 0 : i32
    %dma_start3A_18 = arith.constant 0 : i32
    %dma_start3A_19 = tpu.memref_slice %arg2[%dma_start3A_17, %dma_start3A_18] : memref<10000x128xf32, #tpu.memory_space<hbm>> -> memref<10000x128xf32, #tpu.memory_space<hbm>>
    tpu.enqueue_indirect_dma source(%dma_start3A_19 : memref<10000x128xf32, #tpu.memory_space<hbm>>) target(%arg9 : memref<80x128xf32, #tpu.memory_space<vmem>>) offsets(%arg7 : memref<80xi32, #tpu.memory_space<vmem>>) semaphore(%arg11 : memref<!tpu.dma_semaphore, #tpu.memory_space<semaphore_mem>>)
    %dma_start3A_20 = arith.constant 0 : i32
    %dma_start3A_21 = arith.constant 0 : i32
    %dma_start3A_22 = tpu.memref_slice %arg2[%dma_start3A_20, %dma_start3A_21] : memref<10000x128xf32, #tpu.memory_space<hbm>> -> memref<10000x128xf32, #tpu.memory_space<hbm>>
    tpu.enqueue_indirect_dma source(%dma_start3A_22 : memref<10000x128xf32, #tpu.memory_space<hbm>>) target(%arg10 : memref<80x128xf32, #tpu.memory_space<vmem>>) offsets(%arg8 : memref<80xi32, #tpu.memory_space<vmem>>) semaphore(%arg12 : memref<!tpu.dma_semaphore, #tpu.memory_space<semaphore_mem>>)
    %scan3A = arith.constant 0 : i32
    %scan3A_23 = arith.constant 124 : i32
    %scan3A_24 = arith.addi %scan3A, %scan3A_23 : i32
    %scan3A_25 = arith.constant 1 : i32
    scf.for %scan3A_57 = %scan3A to %scan3A_24 step %scan3A_25  : i32 {
      %mul3A_58 = arith.constant 1 : i32
      %mul3A_59 = arith.muli %scan3A_57, %mul3A_58 : i32
      %add3A_60 = arith.constant 0 : i32
      %add3A_61 = arith.addi %add3A_60, %mul3A_59 : i32
      %dma_wait3A_62 = arith.constant 0 : i32
      %dma_wait3A_63 = arith.constant 0 : i32
      %dma_wait3A_64 = tpu.memref_slice %arg2[%dma_wait3A_62, %dma_wait3A_63] : memref<10000x128xf32, #tpu.memory_space<hbm>> -> memref<10000x128xf32, #tpu.memory_space<hbm>>
      tpu.wait_indirect_dma semaphore(%arg11 : memref<!tpu.dma_semaphore, #tpu.memory_space<semaphore_mem>>) src(%dma_wait3A_64 : memref<10000x128xf32, #tpu.memory_space<hbm>>) dst(%arg9 : memref<80x128xf32, #tpu.memory_space<vmem>>)
      %add3A_65 = arith.constant 1 : i32
      %add3A_66 = arith.addi %add3A_61, %add3A_65 : i32
      %mul3A_67 = arith.constant 80 : i32
      %mul3A_68 = arith.muli %add3A_66, %mul3A_67 : i32
      %add3A_69 = arith.addi %mul3A_2, %mul3A_68 : i32
      %dma_start3A_70 = tpu.memref_slice %arg3[%add3A_69] : memref<320000xi32, #tpu.memory_space<hbm>> -> memref<80xi32, #tpu.memory_space<hbm>>
      %dma_start3A_71 = tpu.memref_slice %arg3[%add3A_69] : memref<320000xi32, #tpu.memory_space<hbm>> -> memref<80xi32, #tpu.memory_space<hbm>>
      tpu.enqueue_dma source(%dma_start3A_71 : memref<80xi32, #tpu.memory_space<hbm>>) target(%arg7 : memref<80xi32, #tpu.memory_space<vmem>>) target_semaphore(%arg15 : memref<!tpu.dma_semaphore, #tpu.memory_space<semaphore_mem>>)
      %mul3A_72 = arith.constant 80 : i32
      %mul3A_73 = arith.muli %add3A_61, %mul3A_72 : i32
      %add3A_74 = arith.addi %mul3A_2, %mul3A_73 : i32
      %dma_start3A_75 = arith.constant 0 : i32
      %dma_start3A_76 = tpu.memref_slice %arg5[%add3A_74, %dma_start3A_75] : memref<320000x128xf32, #tpu.memory_space<hbm>> -> memref<80x128xf32, #tpu.memory_space<hbm>>
      %dma_start3A_77 = arith.constant 0 : i32
      %dma_start3A_78 = tpu.memref_slice %arg5[%add3A_74, %dma_start3A_77] : memref<320000x128xf32, #tpu.memory_space<hbm>> -> memref<80x128xf32, #tpu.memory_space<hbm>>
      tpu.enqueue_dma source(%arg9 : memref<80x128xf32, #tpu.memory_space<vmem>>) target(%dma_start3A_78 : memref<80x128xf32, #tpu.memory_space<hbm>>) target_semaphore(%arg13 : memref<!tpu.dma_semaphore, #tpu.memory_space<semaphore_mem>>)
      %dma_wait3A_79 = arith.constant 0 : i32
      %dma_wait3A_80 = arith.constant 0 : i32
      %dma_wait3A_81 = tpu.memref_slice %arg2[%dma_wait3A_79, %dma_wait3A_80] : memref<10000x128xf32, #tpu.memory_space<hbm>> -> memref<10000x128xf32, #tpu.memory_space<hbm>>
      tpu.wait_indirect_dma semaphore(%arg12 : memref<!tpu.dma_semaphore, #tpu.memory_space<semaphore_mem>>) src(%dma_wait3A_81 : memref<10000x128xf32, #tpu.memory_space<hbm>>) dst(%arg10 : memref<80x128xf32, #tpu.memory_space<vmem>>)
      %add3A_82 = arith.constant 1 : i32
      %add3A_83 = arith.addi %add3A_61, %add3A_82 : i32
      %mul3A_84 = arith.constant 80 : i32
      %mul3A_85 = arith.muli %add3A_83, %mul3A_84 : i32
      %add3A_86 = arith.addi %mul3A_2, %mul3A_85 : i32
      %dma_start3A_87 = tpu.memref_slice %arg4[%add3A_86] : memref<320000xi32, #tpu.memory_space<hbm>> -> memref<80xi32, #tpu.memory_space<hbm>>
      %dma_start3A_88 = tpu.memref_slice %arg4[%add3A_86] : memref<320000xi32, #tpu.memory_space<hbm>> -> memref<80xi32, #tpu.memory_space<hbm>>
      tpu.enqueue_dma source(%dma_start3A_88 : memref<80xi32, #tpu.memory_space<hbm>>) target(%arg8 : memref<80xi32, #tpu.memory_space<vmem>>) target_semaphore(%arg16 : memref<!tpu.dma_semaphore, #tpu.memory_space<semaphore_mem>>)
      %mul3A_89 = arith.constant 80 : i32
      %mul3A_90 = arith.muli %add3A_61, %mul3A_89 : i32
      %add3A_91 = arith.addi %mul3A_2, %mul3A_90 : i32
      %dma_start3A_92 = arith.constant 0 : i32
      %dma_start3A_93 = tpu.memref_slice %arg6[%add3A_91, %dma_start3A_92] : memref<320000x128xf32, #tpu.memory_space<hbm>> -> memref<80x128xf32, #tpu.memory_space<hbm>>
      %dma_start3A_94 = arith.constant 0 : i32
      %dma_start3A_95 = tpu.memref_slice %arg6[%add3A_91, %dma_start3A_94] : memref<320000x128xf32, #tpu.memory_space<hbm>> -> memref<80x128xf32, #tpu.memory_space<hbm>>
      tpu.enqueue_dma source(%arg10 : memref<80x128xf32, #tpu.memory_space<vmem>>) target(%dma_start3A_95 : memref<80x128xf32, #tpu.memory_space<hbm>>) target_semaphore(%arg14 : memref<!tpu.dma_semaphore, #tpu.memory_space<semaphore_mem>>)
      %mul3A_96 = arith.constant 80 : i32
      %mul3A_97 = arith.muli %add3A_61, %mul3A_96 : i32
      %add3A_98 = arith.addi %mul3A_2, %mul3A_97 : i32
      %dma_wait3A_99 = arith.constant 0 : i32
      %dma_wait3A_100 = tpu.memref_slice %arg5[%add3A_98, %dma_wait3A_99] : memref<320000x128xf32, #tpu.memory_space<hbm>> -> memref<80x128xf32, #tpu.memory_space<hbm>>
      %dma_wait3A_101 = arith.constant 0 : i32
      %dma_wait3A_102 = tpu.memref_slice %arg5[%add3A_98, %dma_wait3A_101] : memref<320000x128xf32, #tpu.memory_space<hbm>> -> memref<80x128xf32, #tpu.memory_space<hbm>>
      tpu.wait_dma2 semaphore(%arg13 : memref<!tpu.dma_semaphore, #tpu.memory_space<semaphore_mem>>) src(%arg9 : memref<80x128xf32, #tpu.memory_space<vmem>>) dst(%dma_wait3A_102 : memref<80x128xf32, #tpu.memory_space<hbm>>)
      %add3A_103 = arith.constant 1 : i32
      %add3A_104 = arith.addi %add3A_61, %add3A_103 : i32
      %mul3A_105 = arith.constant 80 : i32
      %mul3A_106 = arith.muli %add3A_104, %mul3A_105 : i32
      %add3A_107 = arith.addi %mul3A_2, %mul3A_106 : i32
      %dma_wait3A_108 = tpu.memref_slice %arg3[%add3A_107] : memref<320000xi32, #tpu.memory_space<hbm>> -> memref<80xi32, #tpu.memory_space<hbm>>
      %dma_wait3A_109 = tpu.memref_slice %arg3[%add3A_107] : memref<320000xi32, #tpu.memory_space<hbm>> -> memref<80xi32, #tpu.memory_space<hbm>>
      tpu.wait_dma2 semaphore(%arg15 : memref<!tpu.dma_semaphore, #tpu.memory_space<semaphore_mem>>) src(%dma_wait3A_109 : memref<80xi32, #tpu.memory_space<hbm>>) dst(%arg7 : memref<80xi32, #tpu.memory_space<vmem>>)
      %dma_start3A_110 = arith.constant 0 : i32
      %dma_start3A_111 = arith.constant 0 : i32
      %dma_start3A_112 = tpu.memref_slice %arg2[%dma_start3A_110, %dma_start3A_111] : memref<10000x128xf32, #tpu.memory_space<hbm>> -> memref<10000x128xf32, #tpu.memory_space<hbm>>
      tpu.enqueue_indirect_dma source(%dma_start3A_112 : memref<10000x128xf32, #tpu.memory_space<hbm>>) target(%arg9 : memref<80x128xf32, #tpu.memory_space<vmem>>) offsets(%arg7 : memref<80xi32, #tpu.memory_space<vmem>>) semaphore(%arg11 : memref<!tpu.dma_semaphore, #tpu.memory_space<semaphore_mem>>)
      %mul3A_113 = arith.constant 80 : i32
      %mul3A_114 = arith.muli %add3A_61, %mul3A_113 : i32
      %add3A_115 = arith.addi %mul3A_2, %mul3A_114 : i32
      %dma_wait3A_116 = arith.constant 0 : i32
      %dma_wait3A_117 = tpu.memref_slice %arg6[%add3A_115, %dma_wait3A_116] : memref<320000x128xf32, #tpu.memory_space<hbm>> -> memref<80x128xf32, #tpu.memory_space<hbm>>
      %dma_wait3A_118 = arith.constant 0 : i32
      %dma_wait3A_119 = tpu.memref_slice %arg6[%add3A_115, %dma_wait3A_118] : memref<320000x128xf32, #tpu.memory_space<hbm>> -> memref<80x128xf32, #tpu.memory_space<hbm>>
      tpu.wait_dma2 semaphore(%arg14 : memref<!tpu.dma_semaphore, #tpu.memory_space<semaphore_mem>>) src(%arg10 : memref<80x128xf32, #tpu.memory_space<vmem>>) dst(%dma_wait3A_119 : memref<80x128xf32, #tpu.memory_space<hbm>>)
      %add3A_120 = arith.constant 1 : i32
      %add3A_121 = arith.addi %add3A_61, %add3A_120 : i32
      %mul3A_122 = arith.constant 80 : i32
      %mul3A_123 = arith.muli %add3A_121, %mul3A_122 : i32
      %add3A_124 = arith.addi %mul3A_2, %mul3A_123 : i32
      %dma_wait3A_125 = tpu.memref_slice %arg4[%add3A_124] : memref<320000xi32, #tpu.memory_space<hbm>> -> memref<80xi32, #tpu.memory_space<hbm>>
      %dma_wait3A_126 = tpu.memref_slice %arg4[%add3A_124] : memref<320000xi32, #tpu.memory_space<hbm>> -> memref<80xi32, #tpu.memory_space<hbm>>
      tpu.wait_dma2 semaphore(%arg16 : memref<!tpu.dma_semaphore, #tpu.memory_space<semaphore_mem>>) src(%dma_wait3A_126 : memref<80xi32, #tpu.memory_space<hbm>>) dst(%arg8 : memref<80xi32, #tpu.memory_space<vmem>>)
      %dma_start3A_127 = arith.constant 0 : i32
      %dma_start3A_128 = arith.constant 0 : i32
      %dma_start3A_129 = tpu.memref_slice %arg2[%dma_start3A_127, %dma_start3A_128] : memref<10000x128xf32, #tpu.memory_space<hbm>> -> memref<10000x128xf32, #tpu.memory_space<hbm>>
      tpu.enqueue_indirect_dma source(%dma_start3A_129 : memref<10000x128xf32, #tpu.memory_space<hbm>>) target(%arg10 : memref<80x128xf32, #tpu.memory_space<vmem>>) offsets(%arg8 : memref<80xi32, #tpu.memory_space<vmem>>) semaphore(%arg12 : memref<!tpu.dma_semaphore, #tpu.memory_space<semaphore_mem>>)
    }
    %scan3A_26 = arith.constant 124 : i32
    %dma_wait3A_27 = arith.constant 0 : i32
    %dma_wait3A_28 = arith.constant 0 : i32
    %dma_wait3A_29 = tpu.memref_slice %arg2[%dma_wait3A_27, %dma_wait3A_28] : memref<10000x128xf32, #tpu.memory_space<hbm>> -> memref<10000x128xf32, #tpu.memory_space<hbm>>
    tpu.wait_indirect_dma semaphore(%arg11 : memref<!tpu.dma_semaphore, #tpu.memory_space<semaphore_mem>>) src(%dma_wait3A_29 : memref<10000x128xf32, #tpu.memory_space<hbm>>) dst(%arg9 : memref<80x128xf32, #tpu.memory_space<vmem>>)
    %add3A_30 = arith.constant 9920 : i32
    %add3A_31 = arith.addi %mul3A_2, %add3A_30 : i32
    %dma_start3A_32 = arith.constant 0 : i32
    %dma_start3A_33 = tpu.memref_slice %arg5[%add3A_31, %dma_start3A_32] : memref<320000x128xf32, #tpu.memory_space<hbm>> -> memref<80x128xf32, #tpu.memory_space<hbm>>
    %dma_start3A_34 = arith.constant 0 : i32
    %dma_start3A_35 = tpu.memref_slice %arg5[%add3A_31, %dma_start3A_34] : memref<320000x128xf32, #tpu.memory_space<hbm>> -> memref<80x128xf32, #tpu.memory_space<hbm>>
    tpu.enqueue_dma source(%arg9 : memref<80x128xf32, #tpu.memory_space<vmem>>) target(%dma_start3A_35 : memref<80x128xf32, #tpu.memory_space<hbm>>) target_semaphore(%arg13 : memref<!tpu.dma_semaphore, #tpu.memory_space<semaphore_mem>>)
    %dma_wait3A_36 = arith.constant 0 : i32
    %dma_wait3A_37 = arith.constant 0 : i32
    %dma_wait3A_38 = tpu.memref_slice %arg2[%dma_wait3A_36, %dma_wait3A_37] : memref<10000x128xf32, #tpu.memory_space<hbm>> -> memref<10000x128xf32, #tpu.memory_space<hbm>>
    tpu.wait_indirect_dma semaphore(%arg12 : memref<!tpu.dma_semaphore, #tpu.memory_space<semaphore_mem>>) src(%dma_wait3A_38 : memref<10000x128xf32, #tpu.memory_space<hbm>>) dst(%arg10 : memref<80x128xf32, #tpu.memory_space<vmem>>)
    %add3A_39 = arith.constant 9920 : i32
    %add3A_40 = arith.addi %mul3A_2, %add3A_39 : i32
    %dma_start3A_41 = arith.constant 0 : i32
    %dma_start3A_42 = tpu.memref_slice %arg6[%add3A_40, %dma_start3A_41] : memref<320000x128xf32, #tpu.memory_space<hbm>> -> memref<80x128xf32, #tpu.memory_space<hbm>>
    %dma_start3A_43 = arith.constant 0 : i32
    %dma_start3A_44 = tpu.memref_slice %arg6[%add3A_40, %dma_start3A_43] : memref<320000x128xf32, #tpu.memory_space<hbm>> -> memref<80x128xf32, #tpu.memory_space<hbm>>
    tpu.enqueue_dma source(%arg10 : memref<80x128xf32, #tpu.memory_space<vmem>>) target(%dma_start3A_44 : memref<80x128xf32, #tpu.memory_space<hbm>>) target_semaphore(%arg14 : memref<!tpu.dma_semaphore, #tpu.memory_space<semaphore_mem>>)
    %add3A_45 = arith.constant 9920 : i32
    %add3A_46 = arith.addi %mul3A_2, %add3A_45 : i32
    %dma_wait3A_47 = arith.constant 0 : i32
    %dma_wait3A_48 = tpu.memref_slice %arg5[%add3A_46, %dma_wait3A_47] : memref<320000x128xf32, #tpu.memory_space<hbm>> -> memref<80x128xf32, #tpu.memory_space<hbm>>
    %dma_wait3A_49 = arith.constant 0 : i32
    %dma_wait3A_50 = tpu.memref_slice %arg5[%add3A_46, %dma_wait3A_49] : memref<320000x128xf32, #tpu.memory_space<hbm>> -> memref<80x128xf32, #tpu.memory_space<hbm>>
    tpu.wait_dma2 semaphore(%arg13 : memref<!tpu.dma_semaphore, #tpu.memory_space<semaphore_mem>>) src(%arg9 : memref<80x128xf32, #tpu.memory_space<vmem>>) dst(%dma_wait3A_50 : memref<80x128xf32, #tpu.memory_space<hbm>>)
    %add3A_51 = arith.constant 9920 : i32
    %add3A_52 = arith.addi %mul3A_2, %add3A_51 : i32
    %dma_wait3A_53 = arith.constant 0 : i32
    %dma_wait3A_54 = tpu.memref_slice %arg6[%add3A_52, %dma_wait3A_53] : memref<320000x128xf32, #tpu.memory_space<hbm>> -> memref<80x128xf32, #tpu.memory_space<hbm>>
    %dma_wait3A_55 = arith.constant 0 : i32
    %dma_wait3A_56 = tpu.memref_slice %arg6[%add3A_52, %dma_wait3A_55] : memref<320000x128xf32, #tpu.memory_space<hbm>> -> memref<80x128xf32, #tpu.memory_space<hbm>>
    tpu.wait_dma2 semaphore(%arg14 : memref<!tpu.dma_semaphore, #tpu.memory_space<semaphore_mem>>) src(%arg10 : memref<80x128xf32, #tpu.memory_space<vmem>>) dst(%dma_wait3A_56 : memref<80x128xf32, #tpu.memory_space<hbm>>)
    return
  }
}

module attributes {stable_mosaic.version = 14 : i64} {
  func.func @_prep_body(%arg0: i32, %arg1: memref<1x1000x1xi32, #tpu.memory_space<vmem>>, %arg2: memref<100x128xf32, #tpu.memory_space<vmem>>, %arg3: memref<128x128xf32, #tpu.memory_space<vmem>>, %arg4: memref<128x1xf32, #tpu.memory_space<vmem>>, %arg5: memref<1000x128xf32, #tpu.memory_space<vmem>>, %arg6: memref<1000x1xf32, #tpu.memory_space<vmem>>) attributes {dimension_semantics = [#tpu.dimension_semantics<arbitrary>], iteration_bounds = array<i64: 10>, scalar_prefetch = 0 : i64, scratch_operands = 0 : i64, tpu.core_type = #tpu.core_type<tc>, window_params = [{transform_indices = @transform_0, window_bounds = array<i64: 1, 1000, 1>}, {pipeline_mode = #tpu.pipeline_mode<synchronous>, transform_indices = @transform_1, window_bounds = array<i64: 100, 128>}, {pipeline_mode = #tpu.pipeline_mode<synchronous>, transform_indices = @transform_2, window_bounds = array<i64: 128, 128>}, {pipeline_mode = #tpu.pipeline_mode<synchronous>, transform_indices = @transform_3, window_bounds = array<i64: 128, 1>}, {transform_indices = @transform_4, window_bounds = array<i64: 1000, 128>}, {transform_indices = @transform_5, window_bounds = array<i64: 1000, 1>}]} {
    %get3A = arith.constant 0 : index
    %get3A_0 = arith.constant 0 : index
    %get3A_1 = arith.constant 0 : index
    %get3A_2 = vector.load %arg1[%get3A, %get3A_0, %get3A_1] : memref<1x1000x1xi32, #tpu.memory_space<vmem>>, vector<1x1000x1xi32>
    %get3A_3 = vector.shape_cast %get3A_2 : vector<1x1000x1xi32> to vector<1000x1xi32>
    %iota3A = tpu.iota {dimensions = array<i32: 1>} : vector<1000x100xi32>
    %eq3A = vector.broadcast %get3A_3 : vector<1000x1xi32> to vector<1000x100xi32>
    %eq3A_4 = arith.cmpi eq, %iota3A, %eq3A : vector<1000x100xi32>
    %convert_element_type3A = arith.extui %eq3A_4 : vector<1000x100xi1> to vector<1000x100xi32>
    %convert_element_type3A_5 = arith.sitofp %convert_element_type3A : vector<1000x100xi32> to vector<1000x100xf32>
    %get3A_6 = arith.constant 0 : index
    %get3A_7 = arith.constant 0 : index
    %get3A_8 = vector.load %arg2[%get3A_6, %get3A_7] : memref<100x128xf32, #tpu.memory_space<vmem>>, vector<100x128xf32>
    %dot_general3A = arith.constant dense<0.000000e+00> : vector<1000x128xf32>
    %dot_general3A_9 = tpu.matmul %convert_element_type3A_5, %get3A_8, %dot_general3A {dimension_numbers = #tpu.dot_dimension_numbers<[1], [0], [0], [1], [0, 0, 1, 1], [], []>, transpose_lhs_hint = false} : vector<1000x100xf32>, vector<100x128xf32>, vector<1000x128xf32> -> vector<1000x128xf32>
    %get3A_10 = arith.constant 0 : index
    %get3A_11 = arith.constant 0 : index
    %get3A_12 = vector.load %arg3[%get3A_10, %get3A_11] : memref<128x128xf32, #tpu.memory_space<vmem>>, vector<128x128xf32>
    %dot_general3A_13 = arith.constant dense<0.000000e+00> : vector<1000x128xf32>
    %dot_general3A_14 = tpu.matmul %dot_general3A_9, %get3A_12, %dot_general3A_13 {dimension_numbers = #tpu.dot_dimension_numbers<[1], [0], [0], [1], [0, 0, 1, 1], [], []>, transpose_lhs_hint = false} : vector<1000x128xf32>, vector<128x128xf32>, vector<1000x128xf32> -> vector<1000x128xf32>
    %swap3A = arith.constant 0 : index
    %swap3A_15 = arith.constant 0 : index
    %swap3A_16 = vector.load %arg5[%swap3A, %swap3A_15] : memref<1000x128xf32, #tpu.memory_space<vmem>>, vector<1000x128xf32>
    tpu.vector_store %arg5[%swap3A, %swap3A_15], %dot_general3A_14 {strides = array<i32>} : memref<1000x128xf32, #tpu.memory_space<vmem>>, vector<1000x128xf32>,
    %get3A_17 = arith.constant 0 : index
    %get3A_18 = arith.constant 0 : index
    %get3A_19 = vector.load %arg4[%get3A_17, %get3A_18] : memref<128x1xf32, #tpu.memory_space<vmem>>, vector<128x1xf32>
    %dot_general3A_20 = arith.constant dense<0.000000e+00> : vector<1000x1xf32>
    %dot_general3A_21 = tpu.matmul %dot_general3A_9, %get3A_19, %dot_general3A_20 {dimension_numbers = #tpu.dot_dimension_numbers<[1], [0], [0], [1], [0, 0, 1, 1], [], []>, transpose_lhs_hint = false} : vector<1000x128xf32>, vector<128x1xf32>, vector<1000x1xf32> -> vector<1000x1xf32>
    %swap3A_22 = arith.constant 0 : index
    %swap3A_23 = arith.constant 0 : index
    %swap3A_24 = vector.load %arg6[%swap3A_22, %swap3A_23] : memref<1000x1xf32, #tpu.memory_space<vmem>>, vector<1000x1xf32>
    tpu.vector_store %arg6[%swap3A_22, %swap3A_23], %dot_general3A_21 {strides = array<i32>} : memref<1000x1xf32, #tpu.memory_space<vmem>>, vector<1000x1xf32>,
    return
  }
  func.func @transform_0(%arg0: i32) -> (i32, i32, i32) {
    %c0_i32 = arith.constant 0 : i32
    %c0_i32_0 = arith.constant 0 : i32
    %c0_i32_1 = arith.constant 0 : i32
    return %arg0, %c0_i32, %c0_i32_0 : i32, i32, i32
  }
  func.func @transform_1(%arg0: i32) -> (i32, i32) {
    %c0_i32 = arith.constant 0 : i32
    %c0_i32_0 = arith.constant 0 : i32
    %c0_i32_1 = arith.constant 0 : i32
    return %c0_i32, %c0_i32_0 : i32, i32
  }
  func.func @transform_2(%arg0: i32) -> (i32, i32) {
    %c0_i32 = arith.constant 0 : i32
    %c0_i32_0 = arith.constant 0 : i32
    %c0_i32_1 = arith.constant 0 : i32
    return %c0_i32, %c0_i32_0 : i32, i32
  }
  func.func @transform_3(%arg0: i32) -> (i32, i32) {
    %c0_i32 = arith.constant 0 : i32
    %c0_i32_0 = arith.constant 0 : i32
    %c0_i32_1 = arith.constant 0 : i32
    return %c0_i32, %c0_i32_0 : i32, i32
  }
  func.func @transform_4(%arg0: i32) -> (i32, i32) {
    %c0_i32 = arith.constant 0 : i32
    %c0_i32_0 = arith.constant 0 : i32
    return %arg0, %c0_i32 : i32, i32
  }
  func.func @transform_5(%arg0: i32) -> (i32, i32) {
    %c0_i32 = arith.constant 0 : i32
    %c0_i32_0 = arith.constant 0 : i32
    return %arg0, %c0_i32 : i32, i32
  }
}

module attributes {stable_mosaic.version = 14 : i64} {
  func.func @_edge_body(%arg0: i32, %arg1: memref<1600x3xf32, #tpu.memory_space<vmem>>, %arg2: memref<1600x128xf32, #tpu.memory_space<vmem>>, %arg3: memref<1600x128xf32, #tpu.memory_space<vmem>>, %arg4: memref<1x16xf32, #tpu.memory_space<vmem>>, %arg5: memref<16x128xf32, #tpu.memory_space<vmem>>, %arg6: memref<128x1xf32, #tpu.memory_space<vmem>>, %arg7: memref<128x128xf32, #tpu.memory_space<vmem>>, %arg8: memref<128x1xf32, #tpu.memory_space<vmem>>, %arg9: memref<1600x128xf32, #tpu.memory_space<vmem>>) attributes {dimension_semantics = [#tpu.dimension_semantics<arbitrary>], iteration_bounds = array<i64: 200>, scalar_prefetch = 0 : i64, scratch_operands = 0 : i64, tpu.core_type = #tpu.core_type<tc>, window_params = [{transform_indices = @transform_0, window_bounds = array<i64: 1600, 3>}, {transform_indices = @transform_1, window_bounds = array<i64: 1600, 128>}, {transform_indices = @transform_2, window_bounds = array<i64: 1600, 128>}, {pipeline_mode = #tpu.pipeline_mode<synchronous>, transform_indices = @transform_3, window_bounds = array<i64: 1, 16>}, {pipeline_mode = #tpu.pipeline_mode<synchronous>, transform_indices = @transform_4, window_bounds = array<i64: 16, 128>}, {pipeline_mode = #tpu.pipeline_mode<synchronous>, transform_indices = @transform_5, window_bounds = array<i64: 128, 1>}, {pipeline_mode = #tpu.pipeline_mode<synchronous>, transform_indices = @transform_6, window_bounds = array<i64: 128, 128>}, {pipeline_mode = #tpu.pipeline_mode<synchronous>, transform_indices = @transform_7, window_bounds = array<i64: 128, 1>}, {transform_indices = @transform_8, window_bounds = array<i64: 1600, 128>}]} {
    %get3A = arith.constant 0 : index
    %get3A_0 = arith.constant 0 : index
    %get3A_1 = vector.load %arg1[%get3A, %get3A_0] : memref<1600x3xf32, #tpu.memory_space<vmem>>, vector<1600x3xf32>
    %mul3A = arith.mulf %get3A_1, %get3A_1 : vector<1600x3xf32>
    %reduce_sum3A = arith.constant dense<0.000000e+00> : vector<1600xf32>
    %reduce_sum3A_2 = vector.multi_reduction <add>, %mul3A, %reduce_sum3A [1] : vector<1600x3xf32> to vector<1600xf32>
    %broadcast_in_dim3A = vector.shape_cast %reduce_sum3A_2 : vector<1600xf32> to vector<1600x1xf32>
    %add3A = arith.constant 9.99999996E-13 : f32
    %add3A_3 = vector.broadcast %add3A : f32 to vector<1600x1xf32>
    %add3A_4 = arith.addf %broadcast_in_dim3A, %add3A_3 : vector<1600x1xf32>
    %sqrt3A = math.sqrt %add3A_4 : vector<1600x1xf32>
    %get3A_5 = arith.constant 0 : index
    %get3A_6 = arith.constant 0 : index
    %get3A_7 = vector.load %arg4[%get3A_5, %get3A_6] : memref<1x16xf32, #tpu.memory_space<vmem>>, vector<1x16xf32>
    %sub3A = vector.broadcast %sqrt3A : vector<1600x1xf32> to vector<1600x16xf32>
    %sub3A_8 = vector.broadcast %get3A_7 : vector<1x16xf32> to vector<1600x16xf32>
    %sub3A_9 = arith.subf %sub3A, %sub3A_8 : vector<1600x16xf32>
    %integer_pow3A = arith.mulf %sub3A_9, %sub3A_9 : vector<1600x16xf32>
    %neg3A = arith.constant 0.000000e+00 : f32
    %neg3A_10 = vector.broadcast %neg3A : f32 to vector<1600x16xf32>
    %neg3A_11 = arith.subf %neg3A_10, %integer_pow3A : vector<1600x16xf32>
    %exp3A = math.exp %neg3A_11 : vector<1600x16xf32>
    %get3A_12 = arith.constant 0 : index
    %get3A_13 = arith.constant 0 : index
    %get3A_14 = vector.load %arg5[%get3A_12, %get3A_13] : memref<16x128xf32, #tpu.memory_space<vmem>>, vector<16x128xf32>
    %dot_general3A = arith.constant dense<0.000000e+00> : vector<1600x128xf32>
    %dot_general3A_15 = tpu.matmul %exp3A, %get3A_14, %dot_general3A {dimension_numbers = #tpu.dot_dimension_numbers<[1], [0], [0], [1], [0, 0, 1, 1], [], []>, transpose_lhs_hint = false} : vector<1600x16xf32>, vector<16x128xf32>, vector<1600x128xf32> -> vector<1600x128xf32>
    %get3A_16 = arith.constant 0 : index
    %get3A_17 = arith.constant 0 : index
    %get3A_18 = vector.load %arg2[%get3A_16, %get3A_17] : memref<1600x128xf32, #tpu.memory_space<vmem>>, vector<1600x128xf32>
    %get3A_19 = arith.constant 0 : index
    %get3A_20 = arith.constant 0 : index
    %get3A_21 = vector.load %arg3[%get3A_19, %get3A_20] : memref<1600x128xf32, #tpu.memory_space<vmem>>, vector<1600x128xf32>
    %add3A_22 = arith.addf %get3A_18, %get3A_21 : vector<1600x128xf32>
    %add3A_23 = arith.addf %add3A_22, %dot_general3A_15 : vector<1600x128xf32>
    %logistic3A = arith.negf %add3A_23 : vector<1600x128xf32>
    %logistic3A_24 = math.exp %logistic3A : vector<1600x128xf32>
    %logistic3A_25 = arith.constant 1.000000e+00 : f32
    %logistic3A_26 = vector.broadcast %logistic3A_25 : f32 to vector<1600x128xf32>
    %logistic3A_27 = arith.addf %logistic3A_26, %logistic3A_24 : vector<1600x128xf32>
    %logistic3A_28 = arith.divf %logistic3A_26, %logistic3A_27 : vector<1600x128xf32>
    %mul3A_29 = arith.mulf %add3A_23, %logistic3A_28 : vector<1600x128xf32>
    %get3A_30 = arith.constant 0 : index
    %get3A_31 = arith.constant 0 : index
    %get3A_32 = vector.load %arg7[%get3A_30, %get3A_31] : memref<128x128xf32, #tpu.memory_space<vmem>>, vector<128x128xf32>
    %get3A_33 = arith.constant 0 : index
    %get3A_34 = arith.constant 0 : index
    %get3A_35 = vector.load %arg8[%get3A_33, %get3A_34] : memref<128x1xf32, #tpu.memory_space<vmem>>, vector<128x1xf32>
    %dot_general3A_36 = arith.constant dense<0.000000e+00> : vector<128x1xf32>
    %dot_general3A_37 = tpu.matmul %get3A_32, %get3A_35, %dot_general3A_36 {dimension_numbers = #tpu.dot_dimension_numbers<[1], [0], [0], [1], [0, 0, 1, 1], [], []>, transpose_lhs_hint = false} : vector<128x128xf32>, vector<128x1xf32>, vector<128x1xf32> -> vector<128x1xf32>
    %dot_general3A_38 = arith.constant dense<0.000000e+00> : vector<1600x1xf32>
    %dot_general3A_39 = tpu.matmul %mul3A_29, %dot_general3A_37, %dot_general3A_38 {dimension_numbers = #tpu.dot_dimension_numbers<[1], [0], [0], [1], [0, 0, 1, 1], [], []>, transpose_lhs_hint = false} : vector<1600x128xf32>, vector<128x1xf32>, vector<1600x1xf32> -> vector<1600x1xf32>
    %get3A_40 = arith.constant 0 : index
    %get3A_41 = arith.constant 0 : index
    %get3A_42 = vector.load %arg6[%get3A_40, %get3A_41] : memref<128x1xf32, #tpu.memory_space<vmem>>, vector<128x1xf32>
    %dot_general3A_43 = arith.constant dense<0.000000e+00> : vector<1600x1xf32>
    %dot_general3A_44 = tpu.matmul %mul3A_29, %get3A_42, %dot_general3A_43 {dimension_numbers = #tpu.dot_dimension_numbers<[1], [0], [0], [1], [0, 0, 1, 1], [], []>, transpose_lhs_hint = false} : vector<1600x128xf32>, vector<128x1xf32>, vector<1600x1xf32> -> vector<1600x1xf32>
    %div3A = vector.broadcast %sqrt3A : vector<1600x1xf32> to vector<1600x3xf32>
    %div3A_45 = arith.divf %get3A_1, %div3A : vector<1600x3xf32>
    %mul3A_46 = vector.broadcast %dot_general3A_44 : vector<1600x1xf32> to vector<1600x3xf32>
    %mul3A_47 = arith.mulf %mul3A_46, %div3A_45 : vector<1600x3xf32>
    %broadcast_in_dim3A_48 = arith.constant 0.000000e+00 : f32
    %broadcast_in_dim3A_49 = vector.broadcast %broadcast_in_dim3A_48 : f32 to vector<1600x124xf32>
    %concatenate3A = tpu.concatenate %dot_general3A_39, %mul3A_47, %broadcast_in_dim3A_49 in 1 : vector<1600x1xf32>, vector<1600x3xf32>, vector<1600x124xf32> -> vector<1600x128xf32>
    %swap3A = arith.constant 0 : index
    %swap3A_50 = arith.constant 0 : index
    %swap3A_51 = vector.load %arg9[%swap3A, %swap3A_50] : memref<1600x128xf32, #tpu.memory_space<vmem>>, vector<1600x128xf32>
    tpu.vector_store %arg9[%swap3A, %swap3A_50], %concatenate3A {strides = array<i32>} : memref<1600x128xf32, #tpu.memory_space<vmem>>, vector<1600x128xf32>,
    return
  }
  func.func @transform_0(%arg0: i32) -> (i32, i32) {
    %c0_i32 = arith.constant 0 : i32
    %c0_i32_0 = arith.constant 0 : i32
    return %arg0, %c0_i32 : i32, i32
  }
  func.func @transform_1(%arg0: i32) -> (i32, i32) {
    %c0_i32 = arith.constant 0 : i32
    %c0_i32_0 = arith.constant 0 : i32
    return %arg0, %c0_i32 : i32, i32
  }
  func.func @transform_2(%arg0: i32) -> (i32, i32) {
    %c0_i32 = arith.constant 0 : i32
    %c0_i32_0 = arith.constant 0 : i32
    return %arg0, %c0_i32 : i32, i32
  }
  func.func @transform_3(%arg0: i32) -> (i32, i32) {
    %c0_i32 = arith.constant 0 : i32
    %c0_i32_0 = arith.constant 0 : i32
    %c0_i32_1 = arith.constant 0 : i32
    return %c0_i32, %c0_i32_0 : i32, i32
  }
  func.func @transform_4(%arg0: i32) -> (i32, i32) {
    %c0_i32 = arith.constant 0 : i32
    %c0_i32_0 = arith.constant 0 : i32
    %c0_i32_1 = arith.constant 0 : i32
    return %c0_i32, %c0_i32_0 : i32, i32
  }
  func.func @transform_5(%arg0: i32) -> (i32, i32) {
    %c0_i32 = arith.constant 0 : i32
    %c0_i32_0 = arith.constant 0 : i32
    %c0_i32_1 = arith.constant 0 : i32
    return %c0_i32, %c0_i32_0 : i32, i32
  }
  func.func @transform_6(%arg0: i32) -> (i32, i32) {
    %c0_i32 = arith.constant 0 : i32
    %c0_i32_0 = arith.constant 0 : i32
    %c0_i32_1 = arith.constant 0 : i32
    return %c0_i32, %c0_i32_0 : i32, i32
  }
  func.func @transform_7(%arg0: i32) -> (i32, i32) {
    %c0_i32 = arith.constant 0 : i32
    %c0_i32_0 = arith.constant 0 : i32
    %c0_i32_1 = arith.constant 0 : i32
    return %c0_i32, %c0_i32_0 : i32, i32
  }
  func.func @transform_8(%arg0: i32) -> (i32, i32) {
    %c0_i32 = arith.constant 0 : i32
    %c0_i32_0 = arith.constant 0 : i32
    return %arg0, %c0_i32 : i32, i32
  }
}

module attributes {stable_mosaic.version = 14 : i64} {
  func.func @_final_body(%arg0: i32, %arg1: memref<1000x1xf32, #tpu.memory_space<vmem>>, %arg2: memref<2x1000x128xf32, #tpu.memory_space<vmem>>, %arg3: memref<1x1x1000xi32, #tpu.memory_space<vmem>>, %arg4: memref<1x128xf32, #tpu.memory_space<vmem>>, %arg5: memref<128x6xf32, #tpu.memory_space<vmem>>, %arg6: memref<1x6xf32, #tpu.memory_space<vmem>>, %arg7: memref<1000x16xf32, #tpu.memory_space<vmem>>, %arg8: memref<64x1xf32, #tpu.memory_space<vmem>>, %arg9: memref<64x6xf32, #tpu.memory_space<vmem>>, %arg10: memref<64x1xf32, #tpu.memory_space<vmem>>) attributes {dimension_semantics = [#tpu.dimension_semantics<arbitrary>], iteration_bounds = array<i64: 10>, scalar_prefetch = 0 : i64, scratch_operands = 1 : i64, tpu.core_type = #tpu.core_type<tc>, window_params = [{transform_indices = @transform_0, window_bounds = array<i64: 1000, 1>}, {transform_indices = @transform_1, window_bounds = array<i64: 2, 1000, 128>}, {transform_indices = @transform_2, window_bounds = array<i64: 1, 1, 1000>}, {pipeline_mode = #tpu.pipeline_mode<synchronous>, transform_indices = @transform_3, window_bounds = array<i64: 1, 128>}, {pipeline_mode = #tpu.pipeline_mode<synchronous>, transform_indices = @transform_4, window_bounds = array<i64: 128, 6>}, {pipeline_mode = #tpu.pipeline_mode<synchronous>, transform_indices = @transform_5, window_bounds = array<i64: 1, 6>}, {transform_indices = @transform_6, window_bounds = array<i64: 1000, 16>}, {pipeline_mode = #tpu.pipeline_mode<synchronous>, transform_indices = @transform_7, window_bounds = array<i64: 64, 1>}, {pipeline_mode = #tpu.pipeline_mode<synchronous>, transform_indices = @transform_8, window_bounds = array<i64: 64, 6>}]} {
    %get3A = arith.constant 0 : index
    %get3A_0 = arith.constant 0 : index
    %get3A_1 = arith.constant 0 : index
    %get3A_2 = vector.load %arg2[%get3A, %get3A_0, %get3A_1] : memref<2x1000x128xf32, #tpu.memory_space<vmem>>, vector<1x1000x128xf32>
    %get3A_3 = vector.shape_cast %get3A_2 : vector<1x1000x128xf32> to vector<1000x128xf32>
    %get3A_4 = arith.constant 1 : index
    %get3A_5 = arith.constant 0 : index
    %get3A_6 = arith.constant 0 : index
    %get3A_7 = vector.load %arg2[%get3A_4, %get3A_5, %get3A_6] : memref<2x1000x128xf32, #tpu.memory_space<vmem>>, vector<1x1000x128xf32>
    %get3A_8 = vector.shape_cast %get3A_7 : vector<1x1000x128xf32> to vector<1000x128xf32>
    %add3A = arith.addf %get3A_3, %get3A_8 : vector<1000x128xf32>
    %slice3A = vector.extract_strided_slice %add3A {offsets = [0, 1], sizes = [1000, 3], strides = [1, 1]} : vector<1000x128xf32> to vector<1000x3xf32>
    %broadcast_in_dim3A = arith.constant 0.000000e+00 : f32
    %broadcast_in_dim3A_9 = vector.broadcast %broadcast_in_dim3A : f32 to vector<1000x13xf32>
    %concatenate3A = tpu.concatenate %slice3A, %broadcast_in_dim3A_9 in 1 : vector<1000x3xf32>, vector<1000x13xf32> -> vector<1000x16xf32>
    %swap3A = arith.constant 0 : index
    %swap3A_10 = arith.constant 0 : index
    %swap3A_11 = vector.load %arg7[%swap3A, %swap3A_10] : memref<1000x16xf32, #tpu.memory_space<vmem>>, vector<1000x16xf32>
    tpu.vector_store %arg7[%swap3A, %swap3A_10], %concatenate3A {strides = array<i32>} : memref<1000x16xf32, #tpu.memory_space<vmem>>, vector<1000x16xf32>,
    %get3A_12 = arith.constant 0 : index
    %get3A_13 = arith.constant 0 : index
    %get3A_14 = vector.load %arg1[%get3A_12, %get3A_13] : memref<1000x1xf32, #tpu.memory_space<vmem>>, vector<1000x1xf32>
    %slice3A_15 = vector.extract_strided_slice %add3A {offsets = [0, 0], sizes = [1000, 1], strides = [1, 1]} : vector<1000x128xf32> to vector<1000x1xf32>
    %add3A_16 = arith.addf %get3A_14, %slice3A_15 : vector<1000x1xf32>
    %get3A_17 = arith.constant 0 : index
    %get3A_18 = arith.constant 0 : index
    %get3A_19 = arith.constant 0 : index
    %get3A_20 = vector.load %arg3[%get3A_17, %get3A_18, %get3A_19] : memref<1x1x1000xi32, #tpu.memory_space<vmem>>, vector<1x1x1000xi32>
    %get3A_21 = vector.shape_cast %get3A_20 : vector<1x1x1000xi32> to vector<1x1000xi32>
    %iota3A = tpu.iota {dimensions = array<i32: 0>} : vector<64x1000xi32>
    %eq3A = vector.broadcast %get3A_21 : vector<1x1000xi32> to vector<64x1000xi32>
    %eq3A_22 = arith.cmpi eq, %iota3A, %eq3A : vector<64x1000xi32>
    %convert_element_type3A = arith.extui %eq3A_22 : vector<64x1000xi1> to vector<64x1000xi32>
    %convert_element_type3A_23 = arith.sitofp %convert_element_type3A : vector<64x1000xi32> to vector<64x1000xf32>
    %dot_general3A = arith.constant dense<0.000000e+00> : vector<64x1xf32>
    %dot_general3A_24 = tpu.matmul %convert_element_type3A_23, %add3A_16, %dot_general3A {dimension_numbers = #tpu.dot_dimension_numbers<[1], [0], [0], [1], [0, 0, 1, 1], [], []>, transpose_lhs_hint = false} : vector<64x1000xf32>, vector<1000x1xf32>, vector<64x1xf32> -> vector<64x1xf32>
    %reduce_sum3A = arith.constant dense<0.000000e+00> : vector<64xf32>
    %reduce_sum3A_25 = vector.multi_reduction <add>, %convert_element_type3A_23, %reduce_sum3A [1] : vector<64x1000xf32> to vector<64xf32>
    %broadcast_in_dim3A_26 = vector.shape_cast %reduce_sum3A_25 : vector<64xf32> to vector<64x1xf32>
    %eq3A_27 = arith.constant 0 : i32
    %eq3A_28 = arith.cmpi eq, %arg0, %eq3A_27 : i32
    %convert_element_type3A_29 = arith.extui %eq3A_28 : i1 to i32
    %cond3A = arith.constant 0 : i32
    %cond3A_30 = arith.cmpi ne, %convert_element_type3A_29, %cond3A : i32
    scf.if %cond3A_30 {
      %broadcast_in_dim3A_50 = arith.constant 0.000000e+00 : f32
      %broadcast_in_dim3A_51 = vector.broadcast %broadcast_in_dim3A_50 : f32 to vector<64x1xf32>
      %swap3A_52 = arith.constant 0 : index
      %swap3A_53 = arith.constant 0 : index
      %swap3A_54 = vector.load %arg8[%swap3A_52, %swap3A_53] : memref<64x1xf32, #tpu.memory_space<vmem>>, vector<64x1xf32>
      tpu.vector_store %arg8[%swap3A_52, %swap3A_53], %broadcast_in_dim3A_51 {strides = array<i32>} : memref<64x1xf32, #tpu.memory_space<vmem>>, vector<64x1xf32>,
      %broadcast_in_dim3A_55 = arith.constant 0.000000e+00 : f32
      %broadcast_in_dim3A_56 = vector.broadcast %broadcast_in_dim3A_55 : f32 to vector<64x1xf32>
      %swap3A_57 = arith.constant 0 : index
      %swap3A_58 = arith.constant 0 : index
      %swap3A_59 = vector.load %arg10[%swap3A_57, %swap3A_58] : memref<64x1xf32, #tpu.memory_space<vmem>>, vector<64x1xf32>
      tpu.vector_store %arg10[%swap3A_57, %swap3A_58], %broadcast_in_dim3A_56 {strides = array<i32>} : memref<64x1xf32, #tpu.memory_space<vmem>>, vector<64x1xf32>,
    } else {
    }
    %get3A_31 = arith.constant 0 : index
    %get3A_32 = arith.constant 0 : index
    %get3A_33 = vector.load %arg8[%get3A_31, %get3A_32] : memref<64x1xf32, #tpu.memory_space<vmem>>, vector<64x1xf32>
    %add3A_34 = arith.addf %get3A_33, %dot_general3A_24 : vector<64x1xf32>
    %swap3A_35 = arith.constant 0 : index
    %swap3A_36 = arith.constant 0 : index
    %swap3A_37 = vector.load %arg8[%swap3A_35, %swap3A_36] : memref<64x1xf32, #tpu.memory_space<vmem>>, vector<64x1xf32>
    tpu.vector_store %arg8[%swap3A_35, %swap3A_36], %add3A_34 {strides = array<i32>} : memref<64x1xf32, #tpu.memory_space<vmem>>, vector<64x1xf32>,
    %get3A_38 = arith.constant 0 : index
    %get3A_39 = arith.constant 0 : index
    %get3A_40 = vector.load %arg10[%get3A_38, %get3A_39] : memref<64x1xf32, #tpu.memory_space<vmem>>, vector<64x1xf32>
    %add3A_41 = arith.addf %get3A_40, %broadcast_in_dim3A_26 : vector<64x1xf32>
    %swap3A_42 = arith.constant 0 : index
    %swap3A_43 = arith.constant 0 : index
    %swap3A_44 = vector.load %arg10[%swap3A_42, %swap3A_43] : memref<64x1xf32, #tpu.memory_space<vmem>>, vector<64x1xf32>
    tpu.vector_store %arg10[%swap3A_42, %swap3A_43], %add3A_41 {strides = array<i32>} : memref<64x1xf32, #tpu.memory_space<vmem>>, vector<64x1xf32>,
    %eq3A_45 = arith.constant 9 : i32
    %eq3A_46 = arith.cmpi eq, %arg0, %eq3A_45 : i32
    %convert_element_type3A_47 = arith.extui %eq3A_46 : i1 to i32
    %cond3A_48 = arith.constant 0 : i32
    %cond3A_49 = arith.cmpi ne, %convert_element_type3A_47, %cond3A_48 : i32
    scf.if %cond3A_49 {
      %get3A_50 = arith.constant 0 : index
      %get3A_51 = arith.constant 0 : index
      %get3A_52 = vector.load %arg4[%get3A_50, %get3A_51] : memref<1x128xf32, #tpu.memory_space<vmem>>, vector<1x128xf32>
      %tanh3A = math.tanh %get3A_52 : vector<1x128xf32>
      %get3A_53 = arith.constant 0 : index
      %get3A_54 = arith.constant 0 : index
      %get3A_55 = vector.load %arg5[%get3A_53, %get3A_54] : memref<128x6xf32, #tpu.memory_space<vmem>>, vector<128x6xf32>
      %dot_general3A_56 = arith.constant dense<0.000000e+00> : vector<1x6xf32>
      %dot_general3A_57 = tpu.matmul %tanh3A, %get3A_55, %dot_general3A_56 {dimension_numbers = #tpu.dot_dimension_numbers<[1], [0], [0], [1], [0, 0, 1, 1], [], []>, transpose_lhs_hint = false} : vector<1x128xf32>, vector<128x6xf32>, vector<1x6xf32> -> vector<1x6xf32>
      %get3A_58 = arith.constant 0 : index
      %get3A_59 = arith.constant 0 : index
      %get3A_60 = vector.load %arg6[%get3A_58, %get3A_59] : memref<1x6xf32, #tpu.memory_space<vmem>>, vector<1x6xf32>
      %add3A_61 = arith.addf %dot_general3A_57, %get3A_60 : vector<1x6xf32>
      %get3A_62 = arith.constant 0 : index
      %get3A_63 = arith.constant 0 : index
      %get3A_64 = vector.load %arg10[%get3A_62, %get3A_63] : memref<64x1xf32, #tpu.memory_space<vmem>>, vector<64x1xf32>
      %mul3A = vector.broadcast %get3A_64 : vector<64x1xf32> to vector<64x6xf32>
      %mul3A_65 = vector.broadcast %add3A_61 : vector<1x6xf32> to vector<64x6xf32>
      %mul3A_66 = arith.mulf %mul3A, %mul3A_65 : vector<64x6xf32>
      %swap3A_67 = arith.constant 0 : index
      %swap3A_68 = arith.constant 0 : index
      %swap3A_69 = vector.load %arg9[%swap3A_67, %swap3A_68] : memref<64x6xf32, #tpu.memory_space<vmem>>, vector<64x6xf32>
      tpu.vector_store %arg9[%swap3A_67, %swap3A_68], %mul3A_66 {strides = array<i32>} : memref<64x6xf32, #tpu.memory_space<vmem>>, vector<64x6xf32>,
    } else {
    }
    return
  }
  func.func @transform_0(%arg0: i32) -> (i32, i32) {
    %c0_i32 = arith.constant 0 : i32
    %c0_i32_0 = arith.constant 0 : i32
    return %arg0, %c0_i32 : i32, i32
  }
  func.func @transform_1(%arg0: i32) -> (i32, i32, i32) {
    %c0_i32 = arith.constant 0 : i32
    %c0_i32_0 = arith.constant 0 : i32
    %c0_i32_1 = arith.constant 0 : i32
    return %c0_i32, %arg0, %c0_i32_0 : i32, i32, i32
  }
  func.func @transform_2(%arg0: i32) -> (i32, i32, i32) {
    %c0_i32 = arith.constant 0 : i32
    %c0_i32_0 = arith.constant 0 : i32
    %c0_i32_1 = arith.constant 0 : i32
    return %arg0, %c0_i32, %c0_i32_0 : i32, i32, i32
  }
  func.func @transform_3(%arg0: i32) -> (i32, i32) {
    %c0_i32 = arith.constant 0 : i32
    %c0_i32_0 = arith.constant 0 : i32
    %c0_i32_1 = arith.constant 0 : i32
    return %c0_i32, %c0_i32_0 : i32, i32
  }
  func.func @transform_4(%arg0: i32) -> (i32, i32) {
    %c0_i32 = arith.constant 0 : i32
    %c0_i32_0 = arith.constant 0 : i32
    %c0_i32_1 = arith.constant 0 : i32
    return %c0_i32, %c0_i32_0 : i32, i32
  }
  func.func @transform_5(%arg0: i32) -> (i32, i32) {
    %c0_i32 = arith.constant 0 : i32
    %c0_i32_0 = arith.constant 0 : i32
    %c0_i32_1 = arith.constant 0 : i32
    return %c0_i32, %c0_i32_0 : i32, i32
  }
  func.func @transform_6(%arg0: i32) -> (i32, i32) {
    %c0_i32 = arith.constant 0 : i32
    %c0_i32_0 = arith.constant 0 : i32
    return %arg0, %c0_i32 : i32, i32
  }
  func.func @transform_7(%arg0: i32) -> (i32, i32) {
    %c0_i32 = arith.constant 0 : i32
    %c0_i32_0 = arith.constant 0 : i32
    %c0_i32_1 = arith.constant 0 : i32
    return %c0_i32, %c0_i32_0 : i32, i32
  }
  func.func @transform_8(%arg0: i32) -> (i32, i32) {
    %c0_i32 = arith.constant 0 : i32
    %c0_i32_0 = arith.constant 0 : i32
    %c0_i32_1 = arith.constant 0 : i32
    return %c0_i32, %c0_i32_0 : i32, i32
  }
}

</mosaic_0001>

<sc_bundles>
// kernel: kernel.10.cloned.1.call-start
scs
__scs_entry_jumppad:
0x0: {  	(pc) =	sbr.rel $0x88, $3  }
0x1: {  	(tag) =	ssettag $0x0;
	lr =	simm.s32 $0x1  }
0x2: {  	[smem:$0x3F93] =	sst lr;
	_ =	strace $0xD0000000  }
0x3: {  	_ = 	snop  }
0x4: {  	_ = 	snop  }
0x5: {  	_ = 	snop  }
0x6: {  	_ = 	snop  }
0x7: {  	_ = 	snop  }
__scs_overlays_trampoline_lowered:
0x8: {  	[smem:$0x3FA2] =	sst s0  }
0x9: {  	[smem:$0x3FA3] =	sst s1  }
0xa: {  	[smem:$0x3FA4] =	sst s2  }
0xb: {  	[smem:$0x3FA5] =	sst s3  }
0xc: {  	[smem:$0x3FA6] =	sst s4  }
0xd: {  	[smem:$0x3FA7] =	sst s5  }
0xe: {  	[smem:$0x3FA8] =	sst s6  }
0xf: {  	[smem:$0x3FA9] =	sst s7  }
0x10: {  	[smem:$0x3FAA] =	sst s8  }
0x11: {  	[smem:$0x3FAB] =	sst s9;
	s0 =	simm.s32 @!p0 $0x0  }
0x12: {  	s1 =	sld [smem:$0x3F91];
	s0 =	simm.s32 @p0 $0x1  }
0x13: {  	[smem:$0x3FAC] =	sst s0;
	s0 =	simm.s32 @!p1 $0x0  }
0x14: {  	s2 =	sld [smem:$0x3F90];
	s0 =	simm.s32 @p1 $0x1  }
0x15: {  	[smem:$0x3FAD] =	sst s0;
	s0 =	simm.s32 @!p2 $0x0  }
0x16: {  	s3 =	sld [smem:$0x3FDB];
	s0 =	simm.s32 @p2 $0x1  }
0x17: {  	s4 =	simm.s32 $0x1BF5;
	[smem:$0x3FAF] =	sst s0  }
0x18: {  	s0 =	sld [smem:$0x3F92];
	_ =	swait.ge [sflag:s4], $0x0  }
0x19: {  	s7 =	sld [smem:$0x3F93]  }
0x1a: {  	s8 =	sadd.s32 $0xFFFFE003, lr  }
0x1b: {  	s9 =	sadd.s32 $0xFFFFFEF7, lr;
	s5 =	simm.s32 $0xFFFFFFFF;
	p2 =	slt.u32 s8, $0xFFFFF086  }
0x1c: {  	p1 =	slt.u32 s9, $0xF7A;
	s5 =	simm.s32 @!p2 $0x0  }
0x1d: {  	s5 =	simm.s32 @p1 $0x1;
	p0 =	seq.s32 s7, s2  }
0x1e: {  	s7 =	smul.u32 @!p0 $0xF7A, s2;
	p2 =	seq.s32 @!p0 s5, $0x0  }
0x1f: {  	s9 =	smul.u32 $0xF7A, s1;
	s8 =	simm.s32 @!p0 $0x1BF5;
	p2 =	por !p2, p0  }
0x20: {  	[sflag:s8] =	ssyncset.s32 @!p0 $0xFFFFF086;
	s6 =	sadd.s32 @!p0 s3, s7;
	s7 =	simm.s32 @!p0 $0x108  }
0x21: {  	s3 =	sadd.s32 s3, s9;
	s6 =	sadd.s32 @!p0 $0x88, s6;
	s7 =	simm.s32 @p2 $0x1082  }
0x22: {  	[simem:s7], [sflag:s8] =	dma.local @!p0 [hbm:s6], $0xF7A  }
0x23: {  	s9 =	sor.u32 $0xD0000000, s2;
	s6 =	simm.s32 $0x108;
	_ =	swait.ge @!p0 [sflag:s8], $0x0  }
0x24: {  	s3 =	sadd.s32 $0x88, s3;
	s6 =	simm.s32 @!p1 $0x1082;
	[sflag:s4] =	ssyncset.s32 $0xFFFFF086  }
0x25: {  	[simem:s6], [sflag:s4] =	dma.local [hbm:s3], $0xF7A  }
0x26: {  	[smem:$0x3F93] =	sst s1;
	(tag) =	ssettag s2;
	_ =	strace s9  }
0x27: {  	s1 =	sld [smem:$0x3FA3]  }
0x28: {  	s2 =	sld [smem:$0x3FA4]  }
0x29: {  	s4 =	sld [smem:$0x3FA6]  }
0x2a: {  	p0 =	seq.s32 s5, $0x0;
	s5 =	sld [smem:$0x3FA7]  }
0x2b: {  	s6 =	sld [smem:$0x3FA8]  }
0x2c: {  	s7 =	sld [smem:$0x3FA9]  }
0x2d: {  	s3 =	simm.s32 $0x108;
	s8 =	sld [smem:$0x3FAA]  }
0x2e: {  	s3 =	simm.s32 @!p0 $0x1082;
	s9 =	sld [smem:$0x3FAB]  }
0x2f: {  	lr =	sadd.s32 s0, s3;
	s0 =	sld [smem:$0x3FA2]  }
0x30: {  	s3 =	sld [smem:$0x3FA5]  }
0x31: {  	[smem:$0x3FAE] =	sst s10  }
0x32: {  	s10 =	sld [smem:$0x3FAC];
	_ =	sdelay $0x3  }
0x33: {  	p0 =	seq.s32 s10, $0x1;
	s10 =	sld [smem:$0x3FAE];
	_ =	sdelay $0x3  }
0x34: {  	[smem:$0x3FAE] =	sst s10  }
0x35: {  	s10 =	sld [smem:$0x3FAD];
	_ =	sdelay $0x3  }
0x36: {  	p1 =	seq.s32 s10, $0x1;
	s10 =	sld [smem:$0x3FAE];
	_ =	sdelay $0x3  }
0x37: {  	[smem:$0x3FAE] =	sst s10  }
0x38: {  	s10 =	sld [smem:$0x3FAF]  }
0x39: {  	_ = 	snop;
	(pc) =	sbr.ind lr, $3  }
0x3a: {  	_ = 	snop  }
0x3b: {  	_ = 	snop  }
0x3c: {  	p2 =	seq.s32 s10, $0x1;
	s10 =	sld [smem:$0x3FAE]  }
0x3d: {  	_ =	shalt  }
0x3e: {  	_ =	shalt  }
0x3f: {  	_ =	shalt  }
0x40: {  	_ =	shalt  }
0x41: {  	_ =	shalt  }
0x42: {  	_ =	shalt  }
0x43: {  	_ =	shalt  }
0x44: {  	_ =	shalt  }
0x45: {  	_ =	shalt  }
0x46: {  	_ =	shalt  }
0x47: {  	_ =	shalt  }
0x48: {  	_ =	shalt  }
0x49: {  	_ =	shalt  }
0x4a: {  	_ =	shalt  }
0x4b: {  	_ =	shalt  }
0x4c: {  	_ =	shalt  }
0x4d: {  	_ =	shalt  }
0x4e: {  	_ =	shalt  }
0x4f: {  	_ =	shalt  }
0x50: {  	_ =	shalt  }
0x51: {  	_ =	shalt  }
0x52: {  	_ =	shalt  }
0x53: {  	_ =	shalt  }
0x54: {  	_ =	shalt  }
0x55: {  	_ =	shalt  }
0x56: {  	_ =	shalt  }
0x57: {  	_ =	shalt  }
0x58: {  	_ =	shalt  }
0x59: {  	_ =	shalt  }
0x5a: {  	_ =	shalt  }
0x5b: {  	_ =	shalt  }
0x5c: {  	_ =	shalt  }
0x5d: {  	_ =	shalt  }
0x5e: {  	_ =	shalt  }
0x5f: {  	_ =	shalt  }
0x60: {  	_ =	shalt  }
0x61: {  	_ =	shalt  }
0x62: {  	_ =	shalt  }
0x63: {  	_ =	shalt  }
0x64: {  	_ =	shalt  }
0x65: {  	_ =	shalt  }
0x66: {  	_ =	shalt  }
0x67: {  	_ =	shalt  }
0x68: {  	_ =	shalt  }
0x69: {  	_ =	shalt  }
0x6a: {  	_ =	shalt  }
0x6b: {  	_ =	shalt  }
0x6c: {  	_ =	shalt  }
0x6d: {  	_ =	shalt  }
0x6e: {  	_ =	shalt  }
0x6f: {  	_ =	shalt  }
0x70: {  	_ =	shalt  }
0x71: {  	_ =	shalt  }
0x72: {  	_ =	shalt  }
0x73: {  	_ =	shalt  }
0x74: {  	_ =	shalt  }
0x75: {  	_ =	shalt  }
0x76: {  	_ =	shalt  }
0x77: {  	_ =	shalt  }
0x78: {  	_ =	shalt  }
0x79: {  	_ =	shalt  }
0x7a: {  	_ =	shalt  }
0x7b: {  	_ =	shalt  }
0x7c: {  	_ =	shalt  }
0x7d: {  	_ =	shalt  }
0x7e: {  	_ =	shalt  }
0x7f: {  	_ =	shalt  }
0x80: {  	_ =	shalt  }
0x81: {  	_ =	shalt  }
0x82: {  	_ =	shalt  }
0x83: {  	_ =	shalt  }
0x84: {  	_ =	shalt  }
0x85: {  	_ =	shalt  }
0x86: {  	_ =	shalt  }
0x87: {  	_ =	shalt  }
.Lfunc_end0:
.L_simem_size_0:
called_computation.1_lowered:
.L_overlay_start_0:
0x88: {  	s2 =	sld [smem:$0x3FD9]  }
0x89: {  	s3 =	sld [smem:$0x3FFE];
	_ =	sdelay $0x1  }
0x8a: {  	s1 =	srdreg.scid  }
0x8b: {  	s0 =	sand.u32 $0x1, s1  }
0x8c: {  	s16 =	sshll.u32 s0, $0xA;
	s2 =	sadd.s32 s3, s2  }
0x8d: {  	s2 =	sadd.s32 s2, s16  }
0x8e: {  	[smem:$0x3FBA] =	sst s2  }
0x8f: {  	_ = 	snop  }
0x90: {  	(tm) =	ssettm $0x1  }
0x91: {  	s17 =	sld [smem:$0x3FFB];
	_ =	sdelay $0x3  }
0x92: {  	_ =	strace s17  }
0x93: {  	s2 =	sld [smem:$0x3FFC];
	_ =	sdelay $0x3  }
0x94: {  	_ =	strace s2  }
0x95: {  	s2 =	sld [smem:$0x3FFD];
	_ =	sdelay $0x3  }
0x96: {  	_ =	strace s2  }
0x97: {  	_ =	strace $0x8FFFFFFF  }
0x98: {  	s18 =	sld [smem:$0x3FDB];
	_ =	sdelay $0x1  }
0x99: {  	s19 =	simm.s32 $_scs_section_size  }
0x9a: {  	s4 =	simm.s32 $_size__tile_overlayer_lowered;
	s5 =	simm.s32 $_tile_overlayer_lowered  }
0x9b: {  	s22 =	simm.s32 $0x1BFF;
	s21 =	sshll.u32 s5, $0x1;
	s2 =	sadd.s32 s19, s18  }
0x9c: {  	s6 =	simm.s32 $0x0;
	s20 =	sshll.u32 s4, $0x1;
	s4 =	sadd.s32 s21, s2  }
0x9d: {  	[timem:s6], [sflag:s22] =	dma.local [hbm:s4], s20  }
0x9e: {  	_ =	swait.ge [sflag:s22], s20  }
0x9f: {  	s3 =	ssub.s32 $0x0, s20;
	[sflag:s22] =	ssyncset.done $0x0  }
0xa0: {  	[sflag:s22] =	ssyncadd.s32 s3;
	_ =	sdelay $0x1  }
0xa1: {  	s23 =	simm.s32 $0x1B8B  }
0xa2: {  	_ =	swait.ge [sflag:s23], $0x1  }
0xa3: {  	[sflag:s23] =	ssyncset.done $0x0  }
0xa4: {  	s25 =	simm.s32 $0x1B8E;
	s24 =	sld [smem:$0x3FFE];
	[sflag:s23] =	ssyncadd.s32 $0xFFFFFFFF  }
0xa5: {  	s26 =	simm.s32 $execute0_lowered;
	[smem:$0x3FD2] =	sst s25  }
0xa6: {  	s4 =	sshll.u32 s26, $0x1;
	_ =	strace $0x80000049;
	[dreg:$0x1] =	wrdreg $0xFFFFFFFF  }
0xa7: {  	s28 =	simm.s32 $_size_execute0_lowered;
	s2 =	sadd.s32 s2, s4;
	[dreg:$0x0] =	wrdreg $0x0  }
0xa8: {  	s4 =	sshll.u32 s28, $0x1;
	[dreg:$0x2] =	wrdreg s2  }
0xa9: {  	[dreg:$0x3] =	wrdreg s4  }
0xaa: {  	[dreg:$0x4] =	wrdreg $0xC0  }
0xab: {  	_ =	task [dreg:s6], $0x5FFFF  }
0xac: {  	[dreg:$0x1] =	wrdreg $0xFFFFFFFF  }
0xad: {  	[dreg:$0x0] =	wrdreg $0x60  }
0xae: {  	[dreg:$0x2] =	wrdreg s24  }
0xaf: {  	[dreg:$0x3] =	wrdreg $0x0  }
0xb0: {  	[dreg:$0x4] =	wrdreg $0x9  }
0xb1: {  	_ =	task.clear_ibuf [dreg:s6], $0x5FFFF;
	_ =	strace $0x90000049  }
0xb2: {  	s29 =	simm.s32 $0x9;
	_ =	strace $0x8000004B  }
0xb3: {  	_ =	swait.ge [sflag:s29], $0x1  }
0xb4: {  	[sflag:s29] =	ssyncadd.s32 $0xFFFFFFFF  }
0xb5: {  	_ =	strace $0x9000004B  }
0xb6: {  	_ =	sfence  }
0xb7: {  	s30 =	sld [smem:$0x0];
	_ =	sdelay $0x2  }
0xb8: {  	s31 =	sshll.u32 s1, $0xD;
	s1 =	sshrl.u32 s1, $0x2  }
0xb9: {  	s3 =	sand.u32 $0x4000, s31;
	s1 =	sadd.s32 s1, s30  }
0xba: {  	s0 =	sor.u32 s3, s0;
	s1 =	sshll.u32 s1, $0x11  }
0xbb: {  	s0 =	sor.u32 s1, s0  }
0xbc: {  	s0 =	sadd.s32 $0x8F2B, s0  }
0xbd: {  	[sflag:s0] =	ssyncadd.remote.s32 $0x1  }
0xbe: {  	_ =	sfence.sel $0xFFFF  }
0xbf: {  	[dreg:$0x0] =	wrdreg $0xFFFFFFFF;
	(pc) =	sbr.abs _section_cstart, $3  }
0xc0: {  	[dreg:$0x1] =	wrdreg $0xFFFFFFFF  }
0xc1: {  	_ =	task.clear_ibuf [dreg:s6], $0x2FFFF;
	_ =	strace $0x9FFFFFFF  }
0xc2: {  	(tm) =	ssettm $0x7FFFFFFF  }
0xc3: {  	_ =	shalt  }
tec
execute0_lowered:
.L_overlay_start_1:
0x0: {  	(tag) =	ssettag $0x1  }
0x1: {  	s5 =	rddreg [dreg:$0x0]  }
0x2: {  	s2 =	rddreg [dreg:$0x1]  }
0x3: {  	s0 =	rddreg [dreg:$0x2];
	s3 =	simm.s32 $0x0;
	s1 =	stileid.u32  }
0x4: {  	s4 =	srdreg.scid;
	s17 =	simm.s32 $0x1;
	s18 =	simm.s32 $0x3  }
0x5: {  	s19 =	simm.s32 $0x50;
	s20 =	simm.s32 $0x13900;
	s6 =	smul.u32 $0x3E80, s1  }
0x6: {  	s21 =	simm.s32 $0x16180;
	s22 =	simm.s32 $0x5;
	s10 =	smul.u32 $0x7D000, s1  }
0x7: {  	s23 =	simm.s32 $0x2;
	[smem:$0x7FF] =	sst s3;
	s14 =	smul.u32 $0x2710, s1  }
0x8: {  	s7 =	sand.u32 $0x1, s4;
	s9 =	sadd.s32 $0xF0AA00, s5;
	s29 =	smul.u32 $0x27100, s1  }
0x9: {  	s4 =	sadd.s32 $0xC800, s5;
	p0 =	sgt.u32 s1, $0x9;
	s8 =	smul.u32 $0x27100, s7  }
0xa: {  	_ =	strace $0x8000004A;
	s12 =	ssub.s32 $0x2, s7;
	s25 =	smul.u32 $0x271000, s7  }
0xb: {  	s11 =	sadd.s32 s6, s5;
	s13 =	sshrl.u32 s12, $0x1;
	s10 =	sshrl.u32 s10, $0x2  }
0xc: {  	s6 =	sadd.s32 s6, s8;
	s12 =	ssub.s32 s12, s13;
	s16 =	sadd.s32 s10, s2  }
0xd: {  	s24 =	sadd.s32 s14, s8;
	s30 =	sadd.s32 s25, s9;
	s13 =	sshll.u32 @!p0 s1, $0x6  }
0xe: {  	s25 =	simm.s32 $0x6;
	s15 =	sadd.s32 s6, s5;
	s5 =	sadd.s32 $0x16600, s11  }
0xf: {  	s26 =	sshrl.u32 s24, $0x3;
	s28 =	sshll.u32 s24, $0x4;
	s10 =	sadd.s32 s29, s30  }
0x10: {  	s31 =	sadd.s32 $0x50, s24;
	s11 =	sadd.s32 $0xA0, s24;
	s13 =	sor.u32 @!p0 $0x1C07, s13  }
0x11: {  	s14 =	sshrl.u32 @!p0 s16, $0x3;
	s16 =	simm.s32 $0x13980;
	s24 =	simm.s32 $0x4  }
0x12: {  	s6 =	sadd.s32 s4, s26;
	s7 =	sadd.s32 s9, s28;
	s8 =	sadd.s32 $0x64A00, s15  }
0x13: {  	s9 =	smax.u32 s12, $0x1;
	s10 =	sadd.s32 $0xA00, s10;
	s12 =	sshrl.u32 s31, $0x3  }
0x14: {  	s15 =	simm.s32 $0x13880;
	s26 =	simm.s32 $0x0;
	s12 =	sadd.s32 s12, s4  }
.LBB2_1:
0x15: {  	[spmem:s14], [sflag:s13] =	dma.local @!p0 [hbm:s5], $0x3E80  }
0x16: {  	s28 =	simm.s32 @!p0 $0x7  }
0x17: {  	_ =	swait.ge @!p0 [sflag:s28], $0x3E80  }
0x18: {  	[sflag:s28] =	ssyncset.done @!p0 $0x0  }
0x19: {  	[sflag:s28] =	ssyncadd.s32 @!p0 $0xFFFFC180  }
0x1a: {  	[bflag:$0x0] =	sbarrier.arrive $0xFFFF  }
0x1b: {  	[tilespmem:s15], [sflag:$0x1] =	stream.linear.gather [hbm4b:s6+s3], $0x50, $0x38;
	[tilespmem:$0x18980] =	vst v63  }
0x1c: {  	_ = 	snop  }
0x1d: {  	[tilespmem:s16], [sflag:$0x3] =	stream.linear.gather [hbm4b:s7+s3], $0x2800, $0x38;
	[tilespmem:$0x18980] =	vst v63  }
0x1e: {  	_ =	swait.ge [sflag:s17], $0x50  }
0x1f: {  	[sflag:s17] =	ssyncset.done $0x0  }
0x20: {  	[sflag:s17] =	ssyncadd.s32 $0xFFFFFFB0  }
0x21: {  	_ =	swait.ge [sflag:s18], $0x2800  }
0x22: {  	[sflag:s18] =	ssyncset.done $0x0  }
0x23: {  	[sflag:s18] =	ssyncadd.s32 $0xFFFFD800  }
0x24: {  	[spmem:s2] =	stream.indirect.scatter.add.f32 [tilespmem:s16], [sflag:$0x5], $0x80, s15, s19, $0xb8;
	[tilespmem:$0x18980] =	vst v63  }
0x25: {  	s28 =	sadd.s32 $0x0, s12  }
0x26: {  	[tilespmem:s20], [sflag:$0x2] =	stream.linear.gather [hbm4b:s28+s3], $0x50, $0x38;
	[tilespmem:$0x18980] =	vst v63  }
0x27: {  	s28 =	sadd.s32 $0xFFFFFB00, s10  }
0x28: {  	[tilespmem:s21], [sflag:$0x4] =	stream.linear.gather [hbm4b:s28+s3], $0x2800, $0x38;
	[tilespmem:$0x18980] =	vst v63  }
0x29: {  	_ =	swait.ge [sflag:s22], $0x2800  }
0x2a: {  	[sflag:s22] =	ssyncset.done $0x0  }
0x2b: {  	[sflag:s22] =	ssyncadd.s32 $0xFFFFD800  }
0x2c: {  	_ =	swait.ge [sflag:s23], $0x50  }
0x2d: {  	[sflag:s23] =	ssyncset.done $0x0  }
0x2e: {  	[sflag:s23] =	ssyncadd.s32 $0xFFFFFFB0  }
0x2f: {  	_ =	swait.ge [sflag:s24], $0x2800  }
0x30: {  	[sflag:s24] =	ssyncset.done $0x0  }
0x31: {  	s28 =	sshrl.u32 s11, $0x3;
	[sflag:s24] =	ssyncadd.s32 $0xFFFFD800  }
0x32: {  	[spmem:s2] =	stream.indirect.scatter.add.f32 [tilespmem:s21], [sflag:$0x6], $0x80, s20, s19, $0xb8;
	[tilespmem:$0x18980] =	vst v63  }
0x33: {  	s28 =	sadd.s32 s4, s28  }
0x34: {  	[tilespmem:s15], [sflag:$0x1] =	stream.linear.gather [hbm4b:s28+s3], $0x50, $0x38;
	[tilespmem:$0x18980] =	vst v63  }
0x35: {  	_ = 	snop  }
0x36: {  	[tilespmem:s16], [sflag:$0x3] =	stream.linear.gather [hbm4b:s10+s3], $0x2800, $0x38;
	[tilespmem:$0x18980] =	vst v63  }
0x37: {  	s29 =	smov.u32 s10;
	_ =	swait.ge [sflag:s25], $0x2800  }
0x38: {  	s30 =	smov.u32 s11;
	s28 =	simm.s32 $0x14;
	[sflag:s25] =	ssyncset.done $0x0  }
.LBB2_2:
0x39: {  	[sflag:s25] =	ssyncadd.s32 $0xFFFFD800;
	s29 =	sadd.s32 $0xA00, s29;
	s30 =	sadd.s32 $0xA0, s30  }
0x3a: {  	p1 =	sne.s32 s28, $0x4C4;
	s31 =	smov.u32 s28;
	s28 =	sadd.s32 $0x14, s28  }
0x3b: {  	_ =	swait.ge [sflag:s17], $0x50  }
0x3c: {  	[sflag:s17] =	ssyncset.done $0x0  }
0x3d: {  	[sflag:s17] =	ssyncadd.s32 $0xFFFFFFB0  }
0x3e: {  	_ =	swait.ge [sflag:s18], $0x2800  }
0x3f: {  	[sflag:s18] =	ssyncset.done $0x0  }
0x40: {  	[sflag:s18] =	ssyncadd.s32 $0xFFFFD800  }
0x41: {  	[spmem:s2] =	stream.indirect.scatter.add.f32 [tilespmem:s16], [sflag:$0x5], $0x80, s15, s19, $0xb8;
	[tilespmem:$0x18980] =	vst v63  }
0x42: {  	s31 =	sadd.s32 s31, s12  }
0x43: {  	[tilespmem:s20], [sflag:$0x2] =	stream.linear.gather [hbm4b:s31+s3], $0x50, $0x38;
	[tilespmem:$0x18980] =	vst v63  }
0x44: {  	s31 =	sadd.s32 $0xFFFFFB00, s29  }
0x45: {  	[tilespmem:s21], [sflag:$0x4] =	stream.linear.gather [hbm4b:s31+s3], $0x2800, $0x38;
	[tilespmem:$0x18980] =	vst v63  }
0x46: {  	_ =	swait.ge [sflag:s22], $0x2800  }
0x47: {  	[sflag:s22] =	ssyncset.done $0x0  }
0x48: {  	[sflag:s22] =	ssyncadd.s32 $0xFFFFD800  }
0x49: {  	_ =	swait.ge [sflag:s23], $0x50  }
0x4a: {  	[sflag:s23] =	ssyncset.done $0x0  }
0x4b: {  	[sflag:s23] =	ssyncadd.s32 $0xFFFFFFB0  }
0x4c: {  	_ =	swait.ge [sflag:s24], $0x2800  }
0x4d: {  	[sflag:s24] =	ssyncset.done $0x0  }
0x4e: {  	s31 =	sshrl.u32 s30, $0x3;
	[sflag:s24] =	ssyncadd.s32 $0xFFFFD800  }
0x4f: {  	[spmem:s2] =	stream.indirect.scatter.add.f32 [tilespmem:s21], [sflag:$0x6], $0x80, s20, s19, $0xb8;
	[tilespmem:$0x18980] =	vst v63  }
0x50: {  	s31 =	sadd.s32 s4, s31  }
0x51: {  	[tilespmem:s15], [sflag:$0x1] =	stream.linear.gather [hbm4b:s31+s3], $0x50, $0x38;
	[tilespmem:$0x18980] =	vst v63  }
.Ltmp0:
0x52: {  	_ = 	snop;
	(pc) =	sbr.rel @p1 .LBB2_2-.Ltmp0, $4  }
0x53: {  	_ = 	snop  }
0x54: {  	[tilespmem:s16], [sflag:$0x3] =	stream.linear.gather [hbm4b:s29+s3], $0x2800, $0x38;
	[tilespmem:$0x18980] =	vst v63  }
0x55: {  	_ =	swait.ge [sflag:s25], $0x2800  }
0x56: {  	[sflag:s25] =	ssyncset.done $0x0  }
0x57: {  	[sflag:s25] =	ssyncadd.s32 $0xFFFFD800  }
0x58: {  	_ =	swait.ge [sflag:s17], $0x50  }
0x59: {  	[sflag:s17] =	ssyncset.done $0x0  }
0x5a: {  	[sflag:s17] =	ssyncadd.s32 $0xFFFFFFB0  }
0x5b: {  	_ =	swait.ge [sflag:s18], $0x2800  }
0x5c: {  	[sflag:s18] =	ssyncset.done $0x0  }
0x5d: {  	[sflag:s18] =	ssyncadd.s32 $0xFFFFD800  }
0x5e: {  	[spmem:s2] =	stream.indirect.scatter.add.f32 [tilespmem:s16], [sflag:$0x5], $0x80, s15, s19, $0xb8;
	[tilespmem:$0x18980] =	vst v63  }
0x5f: {  	_ =	swait.ge [sflag:s22], $0x2800  }
0x60: {  	s26 =	sadd.s32 $0x1, s26;
	[sflag:s22] =	ssyncset.done $0x0  }
0x61: {  	p1 =	sne.s32 s26, s9;
	[sflag:s22] =	ssyncadd.s32 $0xFFFFD800  }
.Ltmp1:
0x62: {  	s28 =	simm.s32 @!p0 $0x7;
	[bflag:$0x0] =	sbarrier.arrive $0xFFFF;
	(pc) =	sbr.rel @p1 .LBB2_1-.Ltmp1, $4  }
0x63: {  	[hbm:s8], [sflag:s13] =	dma.local @!p0 [spmem:s14], $0x3E80  }
0x64: {  	_ =	swait.ge @!p0 [sflag:s28], $0x3E80  }
0x65: {  	[sflag:s28] =	ssyncset.done @!p0 $0x0  }
0x66: {  	[sflag:s28] =	ssyncadd.s32 @!p0 $0xFFFFC180  }
0x67: {  	_ =	sfence.sel $0x180000  }
0x68: {  	[bflag:$0x0] =	sbarrier.arrive $0xFFFF  }
0x69: {  	p0 =	sne.s32 s1, $0x0;
	_ =	strace $0x9000004A  }
0x6a: {  	s0 =	sadd.s32 @!p0 $0x100000, s0;
	[bflag:$0x2] =	sbarrier.arrive $0xFFFF  }
0x6b: {  	[sflag:s0] =	ssyncadd.tile.s32 @!p0 $0x1;
	_ =	shalt  }
.Lfunc_end2:
_tile_overlayer_lowered:
.L_overlay_start_2:
0x6c: {  	(tag) =	ssettag $0x2  }
0x6d: {  	s0 =	rddreg [dreg:$0x0];
	s2 =	stileid.u32  }
0x6e: {  	s1 =	rddreg [dreg:$0x1];
	p0 =	sne.s32 s2, $0x0  }
0x6f: {  	s3 =	rddreg [dreg:$0x2];
	[bflag:$0x3] =	sbarrier.arrive $0xFFFF;
	s2 =	simm.s32 @!p0 $0x1C07  }
0x70: {  	[timem:s3], [sflag:s2] =	dma.local @!p0 [hbm:s0], s1  }
0x71: {  	s0 =	simm.s32 @!p0 $0x7  }
0x72: {  	_ =	swait.ge @!p0 [sflag:s0], s1  }
0x73: {  	s1 =	ssub.s32 @!p0 $0x0, s1;
	[sflag:s0] =	ssyncset.done @!p0 $0x0  }
0x74: {  	[sflag:s0] =	ssyncadd.s32 @!p0 s1  }
0x75: {  	[bflag:$0x3] =	sbarrier.arrive $0xFFFF  }
0x76: {  	_ =	shalt  }

// kernel: kernel.7.cloned.1.call-start
scs
__scs_entry_jumppad:
0x0: {  	(pc) =	sbr.rel $0x88, $3  }
0x1: {  	(tag) =	ssettag $0x0;
	lr =	simm.s32 $0x1  }
0x2: {  	[smem:$0x3F93] =	sst lr;
	_ =	strace $0xD0000000  }
0x3: {  	_ = 	snop  }
0x4: {  	_ = 	snop  }
0x5: {  	_ = 	snop  }
0x6: {  	_ = 	snop  }
0x7: {  	_ = 	snop  }
__scs_overlays_trampoline_lowered:
0x8: {  	[smem:$0x3FA2] =	sst s0  }
0x9: {  	[smem:$0x3FA3] =	sst s1  }
0xa: {  	[smem:$0x3FA4] =	sst s2  }
0xb: {  	[smem:$0x3FA5] =	sst s3  }
0xc: {  	[smem:$0x3FA6] =	sst s4  }
0xd: {  	[smem:$0x3FA7] =	sst s5  }
0xe: {  	[smem:$0x3FA8] =	sst s6  }
0xf: {  	[smem:$0x3FA9] =	sst s7  }
0x10: {  	[smem:$0x3FAA] =	sst s8  }
0x11: {  	[smem:$0x3FAB] =	sst s9;
	s0 =	simm.s32 @!p0 $0x0  }
0x12: {  	s1 =	sld [smem:$0x3F91];
	s0 =	simm.s32 @p0 $0x1  }
0x13: {  	[smem:$0x3FAC] =	sst s0;
	s0 =	simm.s32 @!p1 $0x0  }
0x14: {  	s2 =	sld [smem:$0x3F90];
	s0 =	simm.s32 @p1 $0x1  }
0x15: {  	[smem:$0x3FAD] =	sst s0;
	s0 =	simm.s32 @!p2 $0x0  }
0x16: {  	s3 =	sld [smem:$0x3FDB];
	s0 =	simm.s32 @p2 $0x1  }
0x17: {  	s4 =	simm.s32 $0x1BF5;
	[smem:$0x3FAF] =	sst s0  }
0x18: {  	s0 =	sld [smem:$0x3F92];
	_ =	swait.ge [sflag:s4], $0x0  }
0x19: {  	s7 =	sld [smem:$0x3F93]  }
0x1a: {  	s8 =	sadd.s32 $0xFFFFE003, lr  }
0x1b: {  	s9 =	sadd.s32 $0xFFFFFEF7, lr;
	s5 =	simm.s32 $0xFFFFFFFF;
	p2 =	slt.u32 s8, $0xFFFFF086  }
0x1c: {  	p1 =	slt.u32 s9, $0xF7A;
	s5 =	simm.s32 @!p2 $0x0  }
0x1d: {  	s5 =	simm.s32 @p1 $0x1;
	p0 =	seq.s32 s7, s2  }
0x1e: {  	s7 =	smul.u32 @!p0 $0xF7A, s2;
	p2 =	seq.s32 @!p0 s5, $0x0  }
0x1f: {  	s9 =	smul.u32 $0xF7A, s1;
	s8 =	simm.s32 @!p0 $0x1BF5;
	p2 =	por !p2, p0  }
0x20: {  	[sflag:s8] =	ssyncset.s32 @!p0 $0xFFFFF086;
	s6 =	sadd.s32 @!p0 s3, s7;
	s7 =	simm.s32 @!p0 $0x108  }
0x21: {  	s3 =	sadd.s32 s3, s9;
	s6 =	sadd.s32 @!p0 $0x88, s6;
	s7 =	simm.s32 @p2 $0x1082  }
0x22: {  	[simem:s7], [sflag:s8] =	dma.local @!p0 [hbm:s6], $0xF7A  }
0x23: {  	s9 =	sor.u32 $0xD0000000, s2;
	s6 =	simm.s32 $0x108;
	_ =	swait.ge @!p0 [sflag:s8], $0x0  }
0x24: {  	s3 =	sadd.s32 $0x88, s3;
	s6 =	simm.s32 @!p1 $0x1082;
	[sflag:s4] =	ssyncset.s32 $0xFFFFF086  }
0x25: {  	[simem:s6], [sflag:s4] =	dma.local [hbm:s3], $0xF7A  }
0x26: {  	[smem:$0x3F93] =	sst s1;
	(tag) =	ssettag s2;
	_ =	strace s9  }
0x27: {  	s1 =	sld [smem:$0x3FA3]  }
0x28: {  	s2 =	sld [smem:$0x3FA4]  }
0x29: {  	s4 =	sld [smem:$0x3FA6]  }
0x2a: {  	p0 =	seq.s32 s5, $0x0;
	s5 =	sld [smem:$0x3FA7]  }
0x2b: {  	s6 =	sld [smem:$0x3FA8]  }
0x2c: {  	s7 =	sld [smem:$0x3FA9]  }
0x2d: {  	s3 =	simm.s32 $0x108;
	s8 =	sld [smem:$0x3FAA]  }
0x2e: {  	s3 =	simm.s32 @!p0 $0x1082;
	s9 =	sld [smem:$0x3FAB]  }
0x2f: {  	lr =	sadd.s32 s0, s3;
	s0 =	sld [smem:$0x3FA2]  }
0x30: {  	s3 =	sld [smem:$0x3FA5]  }
0x31: {  	[smem:$0x3FAE] =	sst s10  }
0x32: {  	s10 =	sld [smem:$0x3FAC];
	_ =	sdelay $0x3  }
0x33: {  	p0 =	seq.s32 s10, $0x1;
	s10 =	sld [smem:$0x3FAE];
	_ =	sdelay $0x3  }
0x34: {  	[smem:$0x3FAE] =	sst s10  }
0x35: {  	s10 =	sld [smem:$0x3FAD];
	_ =	sdelay $0x3  }
0x36: {  	p1 =	seq.s32 s10, $0x1;
	s10 =	sld [smem:$0x3FAE];
	_ =	sdelay $0x3  }
0x37: {  	[smem:$0x3FAE] =	sst s10  }
0x38: {  	s10 =	sld [smem:$0x3FAF]  }
0x39: {  	_ = 	snop;
	(pc) =	sbr.ind lr, $3  }
0x3a: {  	_ = 	snop  }
0x3b: {  	_ = 	snop  }
0x3c: {  	p2 =	seq.s32 s10, $0x1;
	s10 =	sld [smem:$0x3FAE]  }
0x3d: {  	_ =	shalt  }
0x3e: {  	_ =	shalt  }
0x3f: {  	_ =	shalt  }
0x40: {  	_ =	shalt  }
0x41: {  	_ =	shalt  }
0x42: {  	_ =	shalt  }
0x43: {  	_ =	shalt  }
0x44: {  	_ =	shalt  }
0x45: {  	_ =	shalt  }
0x46: {  	_ =	shalt  }
0x47: {  	_ =	shalt  }
0x48: {  	_ =	shalt  }
0x49: {  	_ =	shalt  }
0x4a: {  	_ =	shalt  }
0x4b: {  	_ =	shalt  }
0x4c: {  	_ =	shalt  }
0x4d: {  	_ =	shalt  }
0x4e: {  	_ =	shalt  }
0x4f: {  	_ =	shalt  }
0x50: {  	_ =	shalt  }
0x51: {  	_ =	shalt  }
0x52: {  	_ =	shalt  }
0x53: {  	_ =	shalt  }
0x54: {  	_ =	shalt  }
0x55: {  	_ =	shalt  }
0x56: {  	_ =	shalt  }
0x57: {  	_ =	shalt  }
0x58: {  	_ =	shalt  }
0x59: {  	_ =	shalt  }
0x5a: {  	_ =	shalt  }
0x5b: {  	_ =	shalt  }
0x5c: {  	_ =	shalt  }
0x5d: {  	_ =	shalt  }
0x5e: {  	_ =	shalt  }
0x5f: {  	_ =	shalt  }
0x60: {  	_ =	shalt  }
0x61: {  	_ =	shalt  }
0x62: {  	_ =	shalt  }
0x63: {  	_ =	shalt  }
0x64: {  	_ =	shalt  }
0x65: {  	_ =	shalt  }
0x66: {  	_ =	shalt  }
0x67: {  	_ =	shalt  }
0x68: {  	_ =	shalt  }
0x69: {  	_ =	shalt  }
0x6a: {  	_ =	shalt  }
0x6b: {  	_ =	shalt  }
0x6c: {  	_ =	shalt  }
0x6d: {  	_ =	shalt  }
0x6e: {  	_ =	shalt  }
0x6f: {  	_ =	shalt  }
0x70: {  	_ =	shalt  }
0x71: {  	_ =	shalt  }
0x72: {  	_ =	shalt  }
0x73: {  	_ =	shalt  }
0x74: {  	_ =	shalt  }
0x75: {  	_ =	shalt  }
0x76: {  	_ =	shalt  }
0x77: {  	_ =	shalt  }
0x78: {  	_ =	shalt  }
0x79: {  	_ =	shalt  }
0x7a: {  	_ =	shalt  }
0x7b: {  	_ =	shalt  }
0x7c: {  	_ =	shalt  }
0x7d: {  	_ =	shalt  }
0x7e: {  	_ =	shalt  }
0x7f: {  	_ =	shalt  }
0x80: {  	_ =	shalt  }
0x81: {  	_ =	shalt  }
0x82: {  	_ =	shalt  }
0x83: {  	_ =	shalt  }
0x84: {  	_ =	shalt  }
0x85: {  	_ =	shalt  }
0x86: {  	_ =	shalt  }
0x87: {  	_ =	shalt  }
.Lfunc_end0:
.L_simem_size_0:
called_computation_lowered:
.L_overlay_start_0:
0x88: {  	s2 =	sld [smem:$0x3FD9]  }
0x89: {  	s3 =	sld [smem:$0x3FFE];
	_ =	sdelay $0x1  }
0x8a: {  	s1 =	srdreg.scid  }
0x8b: {  	s0 =	sand.u32 $0x1, s1  }
0x8c: {  	s16 =	sshll.u32 s0, $0xA;
	s2 =	sadd.s32 s3, s2  }
0x8d: {  	s2 =	sadd.s32 s2, s16  }
0x8e: {  	[smem:$0x3FBA] =	sst s2  }
0x8f: {  	_ = 	snop  }
0x90: {  	(tm) =	ssettm $0x1  }
0x91: {  	s17 =	sld [smem:$0x3FFB];
	_ =	sdelay $0x3  }
0x92: {  	_ =	strace s17  }
0x93: {  	s2 =	sld [smem:$0x3FFC];
	_ =	sdelay $0x3  }
0x94: {  	_ =	strace s2  }
0x95: {  	s2 =	sld [smem:$0x3FFD];
	_ =	sdelay $0x3  }
0x96: {  	_ =	strace s2  }
0x97: {  	_ =	strace $0x8FFFFFFF  }
0x98: {  	s18 =	sld [smem:$0x3FDB];
	_ =	sdelay $0x1  }
0x99: {  	s19 =	simm.s32 $_scs_section_size  }
0x9a: {  	s4 =	simm.s32 $_size__tile_overlayer_lowered;
	s5 =	simm.s32 $_tile_overlayer_lowered  }
0x9b: {  	s22 =	simm.s32 $0x1BFF;
	s21 =	sshll.u32 s5, $0x1;
	s2 =	sadd.s32 s19, s18  }
0x9c: {  	s6 =	simm.s32 $0x0;
	s20 =	sshll.u32 s4, $0x1;
	s4 =	sadd.s32 s21, s2  }
0x9d: {  	[timem:s6], [sflag:s22] =	dma.local [hbm:s4], s20  }
0x9e: {  	_ =	swait.ge [sflag:s22], s20  }
0x9f: {  	s3 =	ssub.s32 $0x0, s20;
	[sflag:s22] =	ssyncset.done $0x0  }
0xa0: {  	[sflag:s22] =	ssyncadd.s32 s3;
	_ =	sdelay $0x1  }
0xa1: {  	s23 =	simm.s32 $0x1B8B  }
0xa2: {  	_ =	swait.ge [sflag:s23], $0x1  }
0xa3: {  	[sflag:s23] =	ssyncset.done $0x0  }
0xa4: {  	s25 =	simm.s32 $0x1B8E;
	s24 =	sld [smem:$0x3FFE];
	[sflag:s23] =	ssyncadd.s32 $0xFFFFFFFF  }
0xa5: {  	s26 =	simm.s32 $execute0_lowered;
	[smem:$0x3FD2] =	sst s25  }
0xa6: {  	s4 =	sshll.u32 s26, $0x1;
	_ =	strace $0x80000046;
	[dreg:$0x1] =	wrdreg $0xFFFFFFFF  }
0xa7: {  	s28 =	simm.s32 $_size_execute0_lowered;
	s2 =	sadd.s32 s2, s4;
	[dreg:$0x0] =	wrdreg $0x0  }
0xa8: {  	s4 =	sshll.u32 s28, $0x1;
	[dreg:$0x2] =	wrdreg s2  }
0xa9: {  	[dreg:$0x3] =	wrdreg s4  }
0xaa: {  	[dreg:$0x4] =	wrdreg $0xC0  }
0xab: {  	_ =	task [dreg:s6], $0x5FFFF  }
0xac: {  	[dreg:$0x1] =	wrdreg $0xFFFFFFFF  }
0xad: {  	[dreg:$0x0] =	wrdreg $0x60  }
0xae: {  	[dreg:$0x2] =	wrdreg s24  }
0xaf: {  	[dreg:$0x3] =	wrdreg $0x9  }
0xb0: {  	_ =	task.clear_ibuf [dreg:s6], $0x4FFFF;
	_ =	strace $0x90000046  }
0xb1: {  	s29 =	simm.s32 $0x9;
	_ =	strace $0x80000048  }
0xb2: {  	_ =	swait.ge [sflag:s29], $0x1  }
0xb3: {  	[sflag:s29] =	ssyncadd.s32 $0xFFFFFFFF  }
0xb4: {  	_ =	strace $0x90000048  }
0xb5: {  	_ =	sfence  }
0xb6: {  	s30 =	sld [smem:$0x0];
	_ =	sdelay $0x2  }
0xb7: {  	s31 =	sshll.u32 s1, $0xD;
	s1 =	sshrl.u32 s1, $0x2  }
0xb8: {  	s3 =	sand.u32 $0x4000, s31;
	s1 =	sadd.s32 s1, s30  }
0xb9: {  	s0 =	sor.u32 s3, s0;
	s1 =	sshll.u32 s1, $0x11  }
0xba: {  	s0 =	sor.u32 s1, s0  }
0xbb: {  	s0 =	sadd.s32 $0x8F2B, s0  }
0xbc: {  	[sflag:s0] =	ssyncadd.remote.s32 $0x1  }
0xbd: {  	_ =	sfence.sel $0xFFFF  }
0xbe: {  	[dreg:$0x0] =	wrdreg $0xFFFFFFFF;
	(pc) =	sbr.abs _section_cstart, $3  }
0xbf: {  	[dreg:$0x1] =	wrdreg $0xFFFFFFFF  }
0xc0: {  	_ =	task.clear_ibuf [dreg:s6], $0x2FFFF;
	_ =	strace $0x9FFFFFFF  }
0xc1: {  	(tm) =	ssettm $0x7FFFFFFF  }
tec
execute0_lowered:
.L_overlay_start_1:
0x0: {  	(tag) =	ssettag $0x1  }
0x1: {  	s6 =	rddreg [dreg:$0x0]  }
0x2: {  	s0 =	rddreg [dreg:$0x1];
	s2 =	simm.s32 $0x0;
	s4 =	srdreg.scid  }
0x3: {  	s1 =	stileid.u32;
	s18 =	simm.s32 $0x100;
	s19 =	simm.s32 $0x2900  }
0x4: {  	s20 =	simm.s32 $0x1;
	s21 =	simm.s32 $0x2;
	s22 =	simm.s32 $0x3  }
0x5: {  	s23 =	simm.s32 $0x4;
	s24 =	simm.s32 $0x0;
	[smem:$0x7FF] =	sst s2  }
0x6: {  	s3 =	sadd.s32 $0x16600, s6;
	s10 =	sand.u32 $0x1, s4;
	s14 =	smul.u32 $0x4E200, s1  }
0x7: {  	s7 =	sshll.u32 s1, $0x1;
	s4 =	sadd.s32 $0x2A00, s6;
	s16 =	smul.u32 $0x4E20, s1  }
0x8: {  	s5 =	sadd.s32 $0xC800, s6;
	s11 =	sadd.s32 $0x64A00, s6;
	s15 =	smul.u32 $0x27100, s10  }
0x9: {  	s7 =	sor.u32 s10, s7;
	s8 =	ssub.s32 $0x2, s10;
	s17 =	smul.u32 $0x2710, s10  }
0xa: {  	s12 =	sadd.s32 $0x546A00, s6;
	s9 =	smul.u32 $0x2710, s7;
	s28 =	sshrl.u32 s8, $0x1  }
0xb: {  	_ =	strace $0x80000047;
	s7 =	smul.u32 $0x138800, s7;
	s13 =	ssub.s32 s8, s28  }
0xc: {  	s31 =	sadd.s32 s17, s16;
	s16 =	simm.s32 $0x6;
	s17 =	simm.s32 $0x50  }
0xd: {  	s29 =	sshrl.u32 s9, $0x3;
	s30 =	sshrl.u32 s7, $0x3;
	s10 =	smax.u32 s13, $0x1  }
0xe: {  	s13 =	sadd.s32 $0x50, s31;
	s6 =	sadd.s32 s4, s29;
	s9 =	sadd.s32 $0x26C00, s30  }
0xf: {  	s7 =	sadd.s32 s5, s29;
	s8 =	sadd.s32 s11, s9;
	s9 =	sadd.s32 s12, s9  }
0x10: {  	s11 =	sadd.s32 s14, s11;
	s12 =	sadd.s32 s14, s12;
	s14 =	simm.s32 $0x80  }
0x11: {  	s11 =	sadd.s32 s15, s11;
	s12 =	sadd.s32 s15, s12;
	s15 =	simm.s32 $0x5  }
.LBB2_1:
0x12: {  	[tilespmem:s2], [sflag:$0x5] =	stream.linear.gather [hbm4b:s6+s2], $0x50, $0x38;
	[tilespmem:$0x5100] =	vst v63  }
0x13: {  	_ = 	snop  }
0x14: {  	[tilespmem:s14], [sflag:$0x6] =	stream.linear.gather [hbm4b:s7+s2], $0x50, $0x38;
	[tilespmem:$0x5100] =	vst v63  }
0x15: {  	_ =	swait.ge [sflag:s15], $0x50  }
0x16: {  	[sflag:s15] =	ssyncset.done $0x0  }
0x17: {  	[sflag:s15] =	ssyncadd.s32 $0xFFFFFFB0  }
0x18: {  	_ =	swait.ge [sflag:s16], $0x50  }
0x19: {  	[sflag:s16] =	ssyncset.done $0x0  }
0x1a: {  	[sflag:s16] =	ssyncadd.s32 $0xFFFFFFB0  }
0x1b: {  	[tilespmem:s18], [sflag:$0x1] =	stream.indirect.gather [hbm4b:s3+s17], $0x80, s2, s17, $0xb8;
	[tilespmem:$0x5100] =	vst v63  }
0x1c: {  	_ = 	snop  }
0x1d: {  	[tilespmem:s19], [sflag:$0x2] =	stream.indirect.gather [hbm4b:s3+s17], $0x80, s14, s17, $0xb8;
	[tilespmem:$0x5100] =	vst v63  }
0x1e: {  	_ =	swait.ge [sflag:s20], $0x2800  }
0x1f: {  	s25 =	sshrl.u32 s13, $0x3;
	[sflag:s20] =	ssyncset.done $0x0  }
0x20: {  	s26 =	sadd.s32 s4, s25;
	[sflag:s20] =	ssyncadd.s32 $0xFFFFD800  }
0x21: {  	[tilespmem:s2], [sflag:$0x5] =	stream.linear.gather [hbm4b:s26+s2], $0x50, $0x38;
	[tilespmem:$0x5100] =	vst v63  }
0x22: {  	s30 =	sadd.s32 $0x0, s11  }
0x23: {  	[hbm4b:s30+s2] =	stream.linear.scatter [tilespmem:s18], [sflag:$0x3], $0x2800, $0x38;
	[tilespmem:$0x5100] =	vst v63  }
0x24: {  	_ =	swait.ge [sflag:s21], $0x2800  }
0x25: {  	[sflag:s21] =	ssyncset.done $0x0  }
0x26: {  	s25 =	sadd.s32 s5, s25;
	[sflag:s21] =	ssyncadd.s32 $0xFFFFD800  }
0x27: {  	[tilespmem:s14], [sflag:$0x6] =	stream.linear.gather [hbm4b:s25+s2], $0x50, $0x38;
	[tilespmem:$0x5100] =	vst v63  }
0x28: {  	s31 =	sadd.s32 $0x0, s12  }
0x29: {  	[hbm4b:s31+s2] =	stream.linear.scatter [tilespmem:s19], [sflag:$0x4], $0x2800, $0x38;
	[tilespmem:$0x5100] =	vst v63  }
0x2a: {  	_ =	swait.ge [sflag:s22], $0x2800  }
0x2b: {  	[sflag:s22] =	ssyncset.done $0x0  }
0x2c: {  	[sflag:s22] =	ssyncadd.s32 $0xFFFFD800  }
0x2d: {  	_ =	swait.ge [sflag:s15], $0x50  }
0x2e: {  	[sflag:s15] =	ssyncset.done $0x0  }
0x2f: {  	[sflag:s15] =	ssyncadd.s32 $0xFFFFFFB0  }
0x30: {  	[tilespmem:s18], [sflag:$0x1] =	stream.indirect.gather [hbm4b:s3+s17], $0x80, s2, s17, $0xb8;
	[tilespmem:$0x5100] =	vst v63  }
0x31: {  	_ =	swait.ge [sflag:s23], $0x2800  }
0x32: {  	[sflag:s23] =	ssyncset.done $0x0  }
0x33: {  	[sflag:s23] =	ssyncadd.s32 $0xFFFFD800  }
0x34: {  	_ =	swait.ge [sflag:s16], $0x50  }
0x35: {  	[sflag:s16] =	ssyncset.done $0x0  }
0x36: {  	s26 =	sadd.s32 $0x50, s13;
	s25 =	simm.s32 $0x500;
	[sflag:s16] =	ssyncadd.s32 $0xFFFFFFB0  }
.LBB2_2:
0x37: {  	[tilespmem:s19], [sflag:$0x2] =	stream.indirect.gather [hbm4b:s3+s17], $0x80, s14, s17, $0xb8;
	[tilespmem:$0x5100] =	vst v63  }
0x38: {  	s28 =	smov.u32 s25  }
0x39: {  	p0 =	sne.s32 s25, $0x26700;
	s25 =	sadd.s32 $0x500, s25;
	_ =	swait.ge [sflag:s20], $0x2800  }
0x3a: {  	s29 =	sshrl.u32 s26, $0x3;
	[sflag:s20] =	ssyncset.done $0x0  }
0x3b: {  	s30 =	sadd.s32 s4, s29;
	[sflag:s20] =	ssyncadd.s32 $0xFFFFD800  }
0x3c: {  	[tilespmem:s2], [sflag:$0x5] =	stream.linear.gather [hbm4b:s30+s2], $0x50, $0x38;
	[tilespmem:$0x5100] =	vst v63  }
0x3d: {  	s30 =	sadd.s32 s28, s11  }
0x3e: {  	[hbm4b:s30+s2] =	stream.linear.scatter [tilespmem:s18], [sflag:$0x3], $0x2800, $0x38;
	[tilespmem:$0x5100] =	vst v63  }
0x3f: {  	_ =	swait.ge [sflag:s21], $0x2800  }
0x40: {  	[sflag:s21] =	ssyncset.done $0x0  }
0x41: {  	s29 =	sadd.s32 s5, s29;
	[sflag:s21] =	ssyncadd.s32 $0xFFFFD800  }
0x42: {  	[tilespmem:s14], [sflag:$0x6] =	stream.linear.gather [hbm4b:s29+s2], $0x50, $0x38;
	[tilespmem:$0x5100] =	vst v63  }
0x43: {  	s28 =	sadd.s32 s28, s12  }
0x44: {  	[hbm4b:s28+s2] =	stream.linear.scatter [tilespmem:s19], [sflag:$0x4], $0x2800, $0x38;
	[tilespmem:$0x5100] =	vst v63  }
0x45: {  	_ =	swait.ge [sflag:s22], $0x2800  }
0x46: {  	[sflag:s22] =	ssyncset.done $0x0  }
0x47: {  	[sflag:s22] =	ssyncadd.s32 $0xFFFFD800  }
0x48: {  	_ =	swait.ge [sflag:s15], $0x50  }
0x49: {  	[sflag:s15] =	ssyncset.done $0x0  }
0x4a: {  	[sflag:s15] =	ssyncadd.s32 $0xFFFFFFB0  }
0x4b: {  	[tilespmem:s18], [sflag:$0x1] =	stream.indirect.gather [hbm4b:s3+s17], $0x80, s2, s17, $0xb8;
	[tilespmem:$0x5100] =	vst v63  }
0x4c: {  	_ =	swait.ge [sflag:s23], $0x2800  }
.Ltmp0:
0x4d: {  	[sflag:s23] =	ssyncset.done $0x0;
	(pc) =	sbr.rel @p0 .LBB2_2-.Ltmp0, $4  }
0x4e: {  	[sflag:s23] =	ssyncadd.s32 $0xFFFFD800  }
0x4f: {  	_ =	swait.ge [sflag:s16], $0x50  }
0x50: {  	[sflag:s16] =	ssyncset.done $0x0  }
0x51: {  	s26 =	sadd.s32 $0x50, s26;
	[sflag:s16] =	ssyncadd.s32 $0xFFFFFFB0  }
0x52: {  	[tilespmem:s19], [sflag:$0x2] =	stream.indirect.gather [hbm4b:s3+s17], $0x80, s14, s17, $0xb8;
	[tilespmem:$0x5100] =	vst v63  }
0x53: {  	_ =	swait.ge [sflag:s20], $0x2800  }
0x54: {  	[sflag:s20] =	ssyncset.done $0x0  }
0x55: {  	[sflag:s20] =	ssyncadd.s32 $0xFFFFD800  }
0x56: {  	[hbm4b:s8+s2] =	stream.linear.scatter [tilespmem:s18], [sflag:$0x3], $0x2800, $0x38;
	[tilespmem:$0x5100] =	vst v63  }
0x57: {  	_ =	swait.ge [sflag:s21], $0x2800  }
0x58: {  	[sflag:s21] =	ssyncset.done $0x0  }
0x59: {  	s24 =	sadd.s32 $0x1, s24;
	[sflag:s21] =	ssyncadd.s32 $0xFFFFD800  }
0x5a: {  	[hbm4b:s9+s2] =	stream.linear.scatter [tilespmem:s19], [sflag:$0x4], $0x2800, $0x38;
	[tilespmem:$0x5100] =	vst v63  }
0x5b: {  	p0 =	sne.s32 s24, s10;
	_ =	swait.ge [sflag:s22], $0x2800  }
.Ltmp1:
0x5c: {  	[sflag:s22] =	ssyncset.done $0x0;
	(pc) =	sbr.rel @p0 .LBB2_1-.Ltmp1, $4  }
0x5d: {  	[sflag:s22] =	ssyncadd.s32 $0xFFFFD800  }
0x5e: {  	_ =	swait.ge [sflag:s23], $0x2800  }
0x5f: {  	[sflag:s23] =	ssyncset.done $0x0  }
0x60: {  	[sflag:s23] =	ssyncadd.s32 $0xFFFFD800  }
0x61: {  	_ =	sfence.sel $0x180000  }
0x62: {  	[bflag:$0x0] =	sbarrier.arrive $0xFFFF  }
0x63: {  	p0 =	sne.s32 s1, $0x0;
	_ =	strace $0x90000047  }
0x64: {  	s0 =	sadd.s32 @!p0 $0x100000, s0;
	[bflag:$0x2] =	sbarrier.arrive $0xFFFF  }
0x65: {  	[sflag:s0] =	ssyncadd.tile.s32 @!p0 $0x1;
	_ =	shalt  }
.Lfunc_end2:
_tile_overlayer_lowered:
.L_overlay_start_2:
0x66: {  	(tag) =	ssettag $0x2  }
0x67: {  	s0 =	rddreg [dreg:$0x0];
	s2 =	stileid.u32  }
0x68: {  	s1 =	rddreg [dreg:$0x1];
	p0 =	sne.s32 s2, $0x0  }
0x69: {  	s3 =	rddreg [dreg:$0x2];
	[bflag:$0x3] =	sbarrier.arrive $0xFFFF;
	s2 =	simm.s32 @!p0 $0x1C07  }
0x6a: {  	[timem:s3], [sflag:s2] =	dma.local @!p0 [hbm:s0], s1  }
0x6b: {  	s0 =	simm.s32 @!p0 $0x7  }
0x6c: {  	_ =	swait.ge @!p0 [sflag:s0], s1  }
0x6d: {  	s1 =	ssub.s32 @!p0 $0x0, s1;
	[sflag:s0] =	ssyncset.done @!p0 $0x0  }
0x6e: {  	[sflag:s0] =	ssyncadd.s32 @!p0 s1  }
0x6f: {  	[bflag:$0x3] =	sbarrier.arrive $0xFFFF  }
0x70: {  	_ =	shalt  }

</sc_bundles>
